<compile_context>
chip_gen: v7x
topology: tpu7x:2x2x1
jax: 0.10.2.dev20260603
libtpu: 0.0.44.dev20260713+nightly
codegen_flags: <defaults>
</compile_context>

<pallas_src>
import functools

import jax
import jax.numpy as jnp
from jax import lax
from jax.experimental import pallas as pl
from jax.experimental.pallas import tpu as pltpu
from jax.experimental.pallas import tpu_sc as plsc

LAT = 64
N_NODES_K = 50000
HALF = 25000
ACC_ROWS = 25008
EP = 819200
CHUNK = 128
NW = 32
CPW = EP // (NW * CHUNK)



def _ln(x, scale, offset):
    mean = jnp.mean(x, axis=-1, keepdims=True)
    xc = x - mean
    var = jnp.mean(xc * xc, axis=-1, keepdims=True)
    return xc * lax.rsqrt(var + 1e-5) * scale + offset


def _dot(a, b):
    return jnp.dot(a, b, preferred_element_type=jnp.float32)


def _enc_body(x_ref, w0, b0, w1, b1, w2, b2, s, o, out_ref):
    h = jnp.maximum(_dot(x_ref[...], w0[...]) + b0[...], 0.0)
    h = jnp.maximum(_dot(h, w1[...]) + b1[...], 0.0)
    h = _dot(h, w2[...]) + b2[...]
    out_ref[...] = _ln(h, s[...], o[...])


def _edge_body(sf_ref, rf_ref, e_ref, ws, wr, we, b0, w1, b1, w2, b2, s, o,
               ne_ref, eo_ref):
    e = e_ref[...]
    h = (_dot(sf_ref[...], ws[...]) + _dot(rf_ref[...], wr[...])
         + _dot(e, we[...]) + b0[...])
    h = jnp.maximum(h, 0.0)
    h = jnp.maximum(_dot(h, w1[...]) + b1[...], 0.0)
    h = _dot(h, w2[...]) + b2[...]
    ne = _ln(h, s[...], o[...])
    ne_ref[...] = ne
    eo_ref[...] = e + ne


def _node_body(n_ref, r_ref, wn, wr, b0, w1, b1, w2, b2, s, o, out_ref):
    n = n_ref[...]
    h = _dot(n, wn[...]) + _dot(r_ref[...], wr[...]) + b0[...]
    h = jnp.maximum(h, 0.0)
    h = jnp.maximum(_dot(h, w1[...]) + b1[...], 0.0)
    h = _dot(h, w2[...]) + b2[...]
    out_ref[...] = n + _ln(h, s[...], o[...])


def _dec_body(x_ref, w0, b0, w1, b1, w2, b2, out_ref):
    h = jnp.maximum(_dot(x_ref[...], w0[...]) + b0[...], 0.0)
    h = jnp.maximum(_dot(h, w1[...]) + b1[...], 0.0)
    out_ref[...] = _dot(h, w2[...]) + b2[...]


def _full_spec(shape):
    return pl.BlockSpec(shape, lambda i: (0,) * len(shape))


def _row_spec(rows, cols):
    return pl.BlockSpec((rows, cols), lambda i: (i, 0))


def _tc_mlp(body, n_rows, block, in_arrays, in_cols, out_cols, n_out=1):
    grid = (n_rows // block,)
    in_specs = [_row_spec(block, c) for c in in_cols]
    in_specs += [_full_spec(a.shape) for a in in_arrays[len(in_cols):]]
    if n_out == 1:
        out_specs = _row_spec(block, out_cols[0])
        out_shape = jax.ShapeDtypeStruct((n_rows, out_cols[0]), jnp.float32)
    else:
        out_specs = [_row_spec(block, c) for c in out_cols]
        out_shape = [jax.ShapeDtypeStruct((n_rows, c), jnp.float32)
                     for c in out_cols]
    return pl.pallas_call(
        body, grid=grid, in_specs=in_specs, out_specs=out_specs,
        out_shape=out_shape)(*in_arrays)



_MESH = plsc.VectorSubcoreMesh(core_axis_name="c", subcore_axis_name="s")

GCHUNK = 400
GCPW = EP // (NW * GCHUNK)


@functools.partial(
    pl.kernel, mesh=_MESH,
    compiler_params=pltpu.CompilerParams(use_tc_tiling_on_sc=False),
    out_type=[jax.ShapeDtypeStruct((EP, LAT), jnp.float32),
              jax.ShapeDtypeStruct((EP, LAT), jnp.float32)],
    scratch_types=[
        pltpu.VMEM((GCHUNK,), jnp.int32),
        pltpu.VMEM((GCHUNK,), jnp.int32),
        pltpu.VMEM((GCHUNK, LAT), jnp.float32),
        pltpu.VMEM((GCHUNK, LAT), jnp.float32),
        pltpu.SemaphoreType.DMA,
        pltpu.SemaphoreType.DMA,
    ])
def _sc_gather(nodes_hbm, send_hbm, recv_hbm, sout_hbm, rout_hbm,
               idx_s, idx_r, rows_s, rows_r, sem_s, sem_r):
    c = lax.axis_index("c")
    s = lax.axis_index("s")
    wid = s * 2 + c

    def body(j, carry):
        off = (wid + NW * j) * GCHUNK
        pltpu.sync_copy(send_hbm.at[pl.ds(off, GCHUNK)], idx_s)
        pltpu.sync_copy(recv_hbm.at[pl.ds(off, GCHUNK)], idx_r)
        cp_s = pltpu.async_copy(nodes_hbm.at[idx_s], rows_s, sem_s)
        cp_r = pltpu.async_copy(nodes_hbm.at[idx_r], rows_r, sem_r)
        cp_s.wait()
        cp_r.wait()
        pltpu.sync_copy(rows_s, sout_hbm.at[pl.ds(off, GCHUNK)])
        pltpu.sync_copy(rows_r, rout_hbm.at[pl.ds(off, GCHUNK)])
        return carry

    lax.fori_loop(0, GCPW, body, 0)


SCHUNK = 400


@functools.partial(
    pl.kernel, mesh=_MESH,
    compiler_params=pltpu.CompilerParams(use_tc_tiling_on_sc=False),
    out_type=jax.ShapeDtypeStruct((N_NODES_K, LAT), jnp.float32),
    scratch_types=[
        pltpu.VMEM((SCHUNK,), jnp.int32),
        pltpu.VMEM((SCHUNK, LAT), jnp.float32),
        pltpu.VMEM_SHARED((ACC_ROWS, LAT), jnp.float32),
    ])
def _sc_scatter(ne_hbm, idx_hbm, zeros_hbm, out_hbm, idx_v, rows_v, acc):
    c = lax.axis_index("c")
    s = lax.axis_index("s")
    base = c * HALF
    pltpu.sync_copy(zeros_hbm.at[pl.ds(s * 1563, 1563)],
                    acc.at[pl.ds(s * 1563, 1563)])
    plsc.subcore_barrier()

    @pl.when(s == 0)
    def _adds():
        seg = c

        def body(j, carry):
            off = j * SCHUNK
            pltpu.sync_copy(idx_hbm.at[pl.ds(seg * EP + off, SCHUNK)], idx_v)
            pltpu.sync_copy(ne_hbm.at[pl.ds(off, SCHUNK)], rows_v)
            pltpu.sync_copy(rows_v, acc.at[idx_v], add=True)
            return carry

        lax.fori_loop(0, EP // SCHUNK, body, 0)

    plsc.subcore_barrier()
    pltpu.sync_copy(acc.at[pl.ds(s * 1562, 1562)],
                    out_hbm.at[pl.ds(base + s * 1562, 1562)])

    @pl.when(s == 15)
    def _tail():
        pltpu.sync_copy(acc.at[pl.ds(24992, 8)],
                        out_hbm.at[pl.ds(base + 24992, 8)])



def _b(p, i):
    return p["layers"][i]["b"].reshape(1, -1)


def kernel(vel_hist, vel_mag, bound, rel_disp, rel_dist, params, senders,
           receivers):
    n = vel_hist.shape[0]
    e = senders.shape[0]

    node_feat = jnp.concatenate([vel_hist, vel_mag, bound], axis=-1)
    nf_in = node_feat.shape[1]
    node_feat = jnp.pad(node_feat, ((0, 0), (0, 32 - nf_in)))
    edge_feat = jnp.concatenate([rel_disp, rel_dist], axis=-1)
    edge_feat = jnp.pad(edge_feat, ((0, EP - e), (0, 8 - edge_feat.shape[1])))
    send_p = jnp.pad(senders, (0, EP - e))
    recv_p = jnp.pad(receivers, (0, EP - e), constant_values=N_NODES_K)
    zeros = jnp.zeros((ACC_ROWS, LAT), jnp.float32)

    def localize(base):
        loc = recv_p - base
        ok = (loc >= 0) & (loc < HALF)
        return jnp.where(ok, loc, HALF).astype(jnp.int32)

    recv_loc = jnp.concatenate([localize(0), localize(HALF)])

    pn = params["enc_node"]
    w0 = jnp.pad(pn["layers"][0]["w"], ((0, 32 - nf_in), (0, 0)))
    nodes = _tc_mlp(
        _enc_body, n, 2000,
        [node_feat, w0, _b(pn, 0), pn["layers"][1]["w"], _b(pn, 1),
         pn["layers"][2]["w"], _b(pn, 2), pn["ln_scale"].reshape(1, -1),
         pn["ln_offset"].reshape(1, -1)],
        [32], [LAT])

    pe = params["enc_edge"]
    w0e = jnp.pad(pe["layers"][0]["w"], ((0, 4), (0, 0)))
    edges = _tc_mlp(
        _enc_body, EP, 4096,
        [edge_feat, w0e, _b(pe, 0), pe["layers"][1]["w"], _b(pe, 1),
         pe["layers"][2]["w"], _b(pe, 2), pe["ln_scale"].reshape(1, -1),
         pe["ln_offset"].reshape(1, -1)],
        [8], [LAT])

    for sp in params["proc"]:
        sfeat, rfeat = _sc_gather(nodes, send_p, recv_p)
        pedge = sp["edge"]
        we0 = pedge["layers"][0]["w"]
        new_edges, edges = _tc_mlp(
            _edge_body, EP, 4096,
            [sfeat, rfeat, edges, we0[:LAT], we0[LAT:2 * LAT], we0[2 * LAT:],
             _b(pedge, 0), pedge["layers"][1]["w"], _b(pedge, 1),
             pedge["layers"][2]["w"], _b(pedge, 2),
             pedge["ln_scale"].reshape(1, -1),
             pedge["ln_offset"].reshape(1, -1)],
            [LAT, LAT, LAT], [LAT, LAT], n_out=2)

        received = _sc_scatter(new_edges, recv_loc, zeros)

        pnode = sp["node"]
        wn0 = pnode["layers"][0]["w"]
        nodes = _tc_mlp(
            _node_body, n, 2000,
            [nodes, received, wn0[:LAT], wn0[LAT:], _b(pnode, 0),
             pnode["layers"][1]["w"], _b(pnode, 1), pnode["layers"][2]["w"],
             _b(pnode, 2), pnode["ln_scale"].reshape(1, -1),
             pnode["ln_offset"].reshape(1, -1)],
            [LAT, LAT], [LAT])

    pd = params["dec"]
    w2 = jnp.pad(pd["layers"][2]["w"], ((0, 0), (0, 5)))
    b2 = jnp.pad(pd["layers"][2]["b"], (0, 5)).reshape(1, -1)
    out = _tc_mlp(
        _dec_body, n, 2000,
        [nodes, pd["layers"][0]["w"], _b(pd, 0), pd["layers"][1]["w"],
         _b(pd, 1), w2, b2],
        [LAT], [8])
    return out[:, :3]

# --- scband reference (transcript-rebuilt; emitter-appended) ---
"""Pipeline reference for scband-gns-43370579755173 (READ-ONLY COPY).

The authoritative reference and input builder live on the scoring server;
editing this copy changes nothing except your own understanding.
"""

import jax, jax.numpy as jnp
import numpy as np

N_NODES = 50000
N_EDGES = 800000
LATENT = 64
OUT_DIM = 3
NUM_MLP_LAYERS = 2
MP_STEPS = 2
NODE_IN = 26
EDGE_IN = 4


def _mlp_params(key, in_dim, out_dim, layer_norm):
    sizes = [in_dim] + [LATENT] * NUM_MLP_LAYERS + [out_dim]
    keys = jax.random.split(key, len(sizes) - 1)
    layers = []
    for i in range(len(sizes) - 1):
        w = jax.random.normal(keys[i], (sizes[i], sizes[i + 1]), jnp.float32) / np.sqrt(sizes[i])
        b = jnp.zeros((sizes[i + 1],), jnp.float32)
        layers.append({"w": w, "b": b})
    p = {"layers": layers}
    if layer_norm:
        p["ln_scale"] = jnp.ones((out_dim,), jnp.float32)
        p["ln_offset"] = jnp.zeros((out_dim,), jnp.float32)
    return p


def _mlp_apply(p, x):
    n = len(p["layers"])
    for i, layer in enumerate(p["layers"]):
        x = x @ layer["w"] + layer["b"]
        if i < n - 1:
            x = jax.nn.relu(x)
    if "ln_scale" in p:
        mean = jnp.mean(x, axis=-1, keepdims=True)
        var = jnp.var(x, axis=-1, keepdims=True)
        x = (x - mean) * jax.lax.rsqrt(var + 1e-5)
        x = x * p["ln_scale"] + p["ln_offset"]
    return x


def _forward(vel_hist, vel_mag, bound, rel_disp, rel_dist, params, senders, receivers):
    # _transform: build node/edge features
    nodes = jnp.concatenate([vel_hist, vel_mag, bound], axis=-1)
    edges = jnp.concatenate([rel_disp, rel_dist], axis=-1)
    # _encoder
    nodes = _mlp_apply(params["enc_node"], nodes)
    edges = _mlp_apply(params["enc_edge"], edges)
    n = nodes.shape[0]
    # _processor: MP_STEPS GraphNetwork blocks with residual connections
    for sp in params["proc"]:
        edge_inp = jnp.concatenate([nodes[senders], nodes[receivers], edges], axis=-1)
        new_edges = _mlp_apply(sp["edge"], edge_inp)
        received = jax.ops.segment_sum(new_edges, receivers, num_segments=n)
        node_inp = jnp.concatenate([nodes, received], axis=-1)
        new_nodes = _mlp_apply(sp["node"], node_inp)
        nodes = nodes + new_nodes
        edges = edges + new_edges
    # _decoder (no layer norm)
    return _mlp_apply(params["dec"], nodes)


def setup_inputs(seed: int = 0):
    key = jax.random.key(seed)
    ks = jax.random.split(key, 16)
    vel_hist = jax.random.normal(ks[0], (N_NODES, 15), jnp.float32)
    vel_mag = jax.random.uniform(ks[1], (N_NODES, 5), dtype=jnp.float32)
    bound = jax.random.uniform(ks[2], (N_NODES, 6), dtype=jnp.float32)
    rel_disp = jax.random.normal(ks[3], (N_EDGES, 3), jnp.float32)
    rel_dist = jax.random.uniform(ks[4], (N_EDGES, 1), dtype=jnp.float32)
    senders = jax.random.randint(ks[5], (N_EDGES,), 0, N_NODES, jnp.int32)
    receivers = jax.random.randint(ks[6], (N_EDGES,), 0, N_NODES, jnp.int32)
    params = {
        "enc_node": _mlp_params(ks[7], NODE_IN, LATENT, True),
        "enc_edge": _mlp_params(ks[8], EDGE_IN, LATENT, True),
        "proc": [
            {
                "edge": _mlp_params(ks[9 + 2 * t], 3 * LATENT, LATENT, True),
                "node": _mlp_params(ks[10 + 2 * t], 2 * LATENT, LATENT, True),
            }
            for t in range(MP_STEPS)
        ],
        "dec": _mlp_params(ks[13], LATENT, OUT_DIM, False),
    }
    return {
        "vel_hist": vel_hist,
        "vel_mag": vel_mag,
        "bound": bound,
        "rel_disp": rel_disp,
        "rel_dist": rel_dist,
        "params": params,
        "senders": senders,
        "receivers": receivers,
    }


def reference(vel_hist, vel_mag, bound, rel_disp, rel_dist, params, senders, receivers):
    return _forward(vel_hist, vel_mag, bound, rel_disp, rel_dist, params, senders, receivers)

if __name__ == "__main__":
    import jax
    _d = setup_inputs()
    print(jax.jit(kernel)(*tuple(_d.values())))

</pallas_src>

<mosaic_0001>
#map = affine_map<(d0, d1) -> (0, 0)>
#map1 = affine_map<(d0, d1) -> (0)>
module attributes {stable_mosaic.version = 14 : i64} {
  func.func @_sc_scatter(%arg0: i32, %arg1: i32, %arg2: memref<819200x64xf32, #tpu.memory_space<hbm>>, %arg3: memref<1638400xi32, #tpu.memory_space<hbm>>, %arg4: memref<25008x64xf32, #tpu.memory_space<hbm>>, %arg5: memref<50000x64xf32, #tpu.memory_space<hbm>>, %arg6: memref<400xi32, #tpu.memory_space<vmem>>, %arg7: memref<400x64xf32, #tpu.memory_space<vmem>>, %arg8: memref<25008x64xf32, #tpu.memory_space<vmem_shared>>) attributes {dimension_semantics = [#tpu.dimension_semantics<core_parallel>, #tpu.dimension_semantics<subcore_parallel>], iteration_bounds = array<i64: 2, 16>, scalar_prefetch = 0 : i64, scratch_operands = 3 : i64, tpu.core_type = #tpu.core_type<sc_vector_subcore>, window_params = [{transform_indices = #map}, {transform_indices = #map1}, {transform_indices = #map}, {transform_indices = #map}]} {
    %mul3A = arith.constant 25000 : i32
    %mul3A_0 = arith.muli %arg0, %mul3A : i32
    %mul3A_1 = arith.constant 1563 : i32
    %mul3A_2 = arith.muli %arg1, %mul3A_1 : i32
    %mul3A_3 = arith.constant 1563 : i32
    %mul3A_4 = arith.muli %arg1, %mul3A_3 : i32
    "tpu.region"() ({
      %run_scoped3A = tpu.sem_alloc : memref<!tpu.dma_semaphore, #tpu.memory_space<semaphore_mem>>
      %dma_start3A = arith.constant 0 : i32
      %dma_start3A_17 = tpu.memref_slice %arg8[%mul3A_4, %dma_start3A] : memref<25008x64xf32, #tpu.memory_space<vmem_shared>> -> memref<1563x64xf32, #tpu.memory_space<vmem_shared>>
      %dma_start3A_18 = arith.constant 0 : i32
      %dma_start3A_19 = tpu.memref_slice %arg4[%mul3A_2, %dma_start3A_18] : memref<25008x64xf32, #tpu.memory_space<hbm>> -> memref<1563x64xf32, #tpu.memory_space<hbm>>
      tpu.enqueue_dma source(%dma_start3A_19 : memref<1563x64xf32, #tpu.memory_space<hbm>>) target(%dma_start3A_17 : memref<1563x64xf32, #tpu.memory_space<vmem_shared>>) target_semaphore(%run_scoped3A : memref<!tpu.dma_semaphore, #tpu.memory_space<semaphore_mem>>)
      %dma_wait3A = arith.constant 0 : i32
      %dma_wait3A_20 = tpu.memref_slice %arg8[%mul3A_4, %dma_wait3A] : memref<25008x64xf32, #tpu.memory_space<vmem_shared>> -> memref<1563x64xf32, #tpu.memory_space<vmem_shared>>
      %dma_wait3A_21 = arith.constant 0 : i32
      %dma_wait3A_22 = tpu.memref_slice %arg4[%mul3A_2, %dma_wait3A_21] : memref<25008x64xf32, #tpu.memory_space<hbm>> -> memref<1563x64xf32, #tpu.memory_space<hbm>>
      tpu.wait_dma2 semaphore(%run_scoped3A : memref<!tpu.dma_semaphore, #tpu.memory_space<semaphore_mem>>) src(%dma_wait3A_22 : memref<1563x64xf32, #tpu.memory_space<hbm>>) dst(%dma_wait3A_20 : memref<1563x64xf32, #tpu.memory_space<vmem_shared>>)
      tpu.yield
    }) : () -> ()
    %barrier3A = arith.constant 0 : index
    tpu.barrier barrier_id(%barrier3A)
    %eq3A = arith.constant 0 : i32
    %eq3A_5 = arith.cmpi eq, %arg1, %eq3A : i32
    %convert_element_type3A = arith.extui %eq3A_5 : i1 to i32
    %cond3A = arith.constant 0 : i32
    %cond3A_6 = arith.cmpi ne, %convert_element_type3A, %cond3A : i32
    scf.if %cond3A_6 {
      %scan3A = arith.constant 0 : i32
      %scan3A_17 = arith.constant 0 : i32
      %scan3A_18 = arith.constant 2048 : i32
      %scan3A_19 = arith.addi %scan3A_17, %scan3A_18 : i32
      %scan3A_20 = arith.constant 1 : i32
      scf.for %scan3A_22 = %scan3A_17 to %scan3A_19 step %scan3A_20  : i32 {
        %mul3A_23 = arith.constant 400 : i32
        %mul3A_24 = arith.muli %scan3A_22, %mul3A_23 : i32
        %mul3A_25 = arith.constant 819200 : i32
        %mul3A_26 = arith.muli %arg0, %mul3A_25 : i32
        %add3A_27 = arith.addi %mul3A_26, %mul3A_24 : i32
        "tpu.region"() ({
          %run_scoped3A = tpu.sem_alloc : memref<!tpu.dma_semaphore, #tpu.memory_space<semaphore_mem>>
          %dma_start3A = tpu.memref_slice %arg3[%add3A_27] : memref<1638400xi32, #tpu.memory_space<hbm>> -> memref<400xi32, #tpu.memory_space<hbm>>
          %dma_start3A_28 = tpu.memref_slice %arg3[%add3A_27] : memref<1638400xi32, #tpu.memory_space<hbm>> -> memref<400xi32, #tpu.memory_space<hbm>>
          tpu.enqueue_dma source(%dma_start3A_28 : memref<400xi32, #tpu.memory_space<hbm>>) target(%arg6 : memref<400xi32, #tpu.memory_space<vmem>>) target_semaphore(%run_scoped3A : memref<!tpu.dma_semaphore, #tpu.memory_space<semaphore_mem>>)
          %dma_wait3A = tpu.memref_slice %arg3[%add3A_27] : memref<1638400xi32, #tpu.memory_space<hbm>> -> memref<400xi32, #tpu.memory_space<hbm>>
          %dma_wait3A_29 = tpu.memref_slice %arg3[%add3A_27] : memref<1638400xi32, #tpu.memory_space<hbm>> -> memref<400xi32, #tpu.memory_space<hbm>>
          tpu.wait_dma2 semaphore(%run_scoped3A : memref<!tpu.dma_semaphore, #tpu.memory_space<semaphore_mem>>) src(%dma_wait3A_29 : memref<400xi32, #tpu.memory_space<hbm>>) dst(%arg6 : memref<400xi32, #tpu.memory_space<vmem>>)
          tpu.yield
        }) : () -> ()
        "tpu.region"() ({
          %run_scoped3A = tpu.sem_alloc : memref<!tpu.dma_semaphore, #tpu.memory_space<semaphore_mem>>
          %dma_start3A = arith.constant 0 : i32
          %dma_start3A_28 = tpu.memref_slice %arg2[%mul3A_24, %dma_start3A] : memref<819200x64xf32, #tpu.memory_space<hbm>> -> memref<400x64xf32, #tpu.memory_space<hbm>>
          %dma_start3A_29 = arith.constant 0 : i32
          %dma_start3A_30 = tpu.memref_slice %arg2[%mul3A_24, %dma_start3A_29] : memref<819200x64xf32, #tpu.memory_space<hbm>> -> memref<400x64xf32, #tpu.memory_space<hbm>>
          tpu.enqueue_dma source(%dma_start3A_30 : memref<400x64xf32, #tpu.memory_space<hbm>>) target(%arg7 : memref<400x64xf32, #tpu.memory_space<vmem>>) target_semaphore(%run_scoped3A : memref<!tpu.dma_semaphore, #tpu.memory_space<semaphore_mem>>)
          %dma_wait3A = arith.constant 0 : i32
          %dma_wait3A_31 = tpu.memref_slice %arg2[%mul3A_24, %dma_wait3A] : memref<819200x64xf32, #tpu.memory_space<hbm>> -> memref<400x64xf32, #tpu.memory_space<hbm>>
          %dma_wait3A_32 = arith.constant 0 : i32
          %dma_wait3A_33 = tpu.memref_slice %arg2[%mul3A_24, %dma_wait3A_32] : memref<819200x64xf32, #tpu.memory_space<hbm>> -> memref<400x64xf32, #tpu.memory_space<hbm>>
          tpu.wait_dma2 semaphore(%run_scoped3A : memref<!tpu.dma_semaphore, #tpu.memory_space<semaphore_mem>>) src(%dma_wait3A_33 : memref<400x64xf32, #tpu.memory_space<hbm>>) dst(%arg7 : memref<400x64xf32, #tpu.memory_space<vmem>>)
          tpu.yield
        }) : () -> ()
        "tpu.region"() ({
          %run_scoped3A = tpu.sem_alloc : memref<!tpu.dma_semaphore, #tpu.memory_space<semaphore_mem>>
          %dma_start3A = arith.constant 0 : i32
          %dma_start3A_28 = arith.constant 0 : i32
          %dma_start3A_29 = tpu.memref_slice %arg8[%dma_start3A, %dma_start3A_28] : memref<25008x64xf32, #tpu.memory_space<vmem_shared>> -> memref<25008x64xf32, #tpu.memory_space<vmem_shared>>
          tpu.enqueue_indirect_dma source(%arg7 : memref<400x64xf32, #tpu.memory_space<vmem>>) target(%dma_start3A_29 : memref<25008x64xf32, #tpu.memory_space<vmem_shared>>) offsets(%arg6 : memref<400xi32, #tpu.memory_space<vmem>>) semaphore(%run_scoped3A : memref<!tpu.dma_semaphore, #tpu.memory_space<semaphore_mem>>) {add = true}
          %dma_wait3A = arith.constant 0 : i32
          %dma_wait3A_30 = arith.constant 0 : i32
          %dma_wait3A_31 = tpu.memref_slice %arg8[%dma_wait3A, %dma_wait3A_30] : memref<25008x64xf32, #tpu.memory_space<vmem_shared>> -> memref<25008x64xf32, #tpu.memory_space<vmem_shared>>
          tpu.wait_indirect_dma semaphore(%run_scoped3A : memref<!tpu.dma_semaphore, #tpu.memory_space<semaphore_mem>>) src(%arg7 : memref<400x64xf32, #tpu.memory_space<vmem>>) dst(%dma_wait3A_31 : memref<25008x64xf32, #tpu.memory_space<vmem_shared>>)
          tpu.yield
        }) : () -> ()
      }
      %scan3A_21 = arith.constant 2048 : i32
    } else {
    }
    %barrier3A_7 = arith.constant 0 : index
    tpu.barrier barrier_id(%barrier3A_7)
    %mul3A_8 = arith.constant 1562 : i32
    %mul3A_9 = arith.muli %arg1, %mul3A_8 : i32
    %mul3A_10 = arith.constant 1562 : i32
    %mul3A_11 = arith.muli %arg1, %mul3A_10 : i32
    %add3A = arith.addi %mul3A_0, %mul3A_11 : i32
    "tpu.region"() ({
      %run_scoped3A = tpu.sem_alloc : memref<!tpu.dma_semaphore, #tpu.memory_space<semaphore_mem>>
      %dma_start3A = arith.constant 0 : i32
      %dma_start3A_17 = tpu.memref_slice %arg5[%add3A, %dma_start3A] : memref<50000x64xf32, #tpu.memory_space<hbm>> -> memref<1562x64xf32, #tpu.memory_space<hbm>>
      %dma_start3A_18 = arith.constant 0 : i32
      %dma_start3A_19 = tpu.memref_slice %arg8[%mul3A_9, %dma_start3A_18] : memref<25008x64xf32, #tpu.memory_space<vmem_shared>> -> memref<1562x64xf32, #tpu.memory_space<vmem_shared>>
      tpu.enqueue_dma source(%dma_start3A_19 : memref<1562x64xf32, #tpu.memory_space<vmem_shared>>) target(%dma_start3A_17 : memref<1562x64xf32, #tpu.memory_space<hbm>>) target_semaphore(%run_scoped3A : memref<!tpu.dma_semaphore, #tpu.memory_space<semaphore_mem>>)
      %dma_wait3A = arith.constant 0 : i32
      %dma_wait3A_20 = tpu.memref_slice %arg5[%add3A, %dma_wait3A] : memref<50000x64xf32, #tpu.memory_space<hbm>> -> memref<1562x64xf32, #tpu.memory_space<hbm>>
      %dma_wait3A_21 = arith.constant 0 : i32
      %dma_wait3A_22 = tpu.memref_slice %arg8[%mul3A_9, %dma_wait3A_21] : memref<25008x64xf32, #tpu.memory_space<vmem_shared>> -> memref<1562x64xf32, #tpu.memory_space<vmem_shared>>
      tpu.wait_dma2 semaphore(%run_scoped3A : memref<!tpu.dma_semaphore, #tpu.memory_space<semaphore_mem>>) src(%dma_wait3A_22 : memref<1562x64xf32, #tpu.memory_space<vmem_shared>>) dst(%dma_wait3A_20 : memref<1562x64xf32, #tpu.memory_space<hbm>>)
      tpu.yield
    }) : () -> ()
    %eq3A_12 = arith.constant 15 : i32
    %eq3A_13 = arith.cmpi eq, %arg1, %eq3A_12 : i32
    %convert_element_type3A_14 = arith.extui %eq3A_13 : i1 to i32
    %cond3A_15 = arith.constant 0 : i32
    %cond3A_16 = arith.cmpi ne, %convert_element_type3A_14, %cond3A_15 : i32
    scf.if %cond3A_16 {
      %add3A_17 = arith.constant 24992 : i32
      %add3A_18 = arith.addi %mul3A_0, %add3A_17 : i32
      "tpu.region"() ({
        %run_scoped3A = tpu.sem_alloc : memref<!tpu.dma_semaphore, #tpu.memory_space<semaphore_mem>>
        %dma_start3A = arith.constant 0 : i32
        %dma_start3A_19 = tpu.memref_slice %arg5[%add3A_18, %dma_start3A] : memref<50000x64xf32, #tpu.memory_space<hbm>> -> memref<8x64xf32, #tpu.memory_space<hbm>>
        %dma_start3A_20 = arith.constant 24992 : i32
        %dma_start3A_21 = arith.constant 0 : i32
        %dma_start3A_22 = tpu.memref_slice %arg8[%dma_start3A_20, %dma_start3A_21] : memref<25008x64xf32, #tpu.memory_space<vmem_shared>> -> memref<8x64xf32, #tpu.memory_space<vmem_shared>>
        tpu.enqueue_dma source(%dma_start3A_22 : memref<8x64xf32, #tpu.memory_space<vmem_shared>>) target(%dma_start3A_19 : memref<8x64xf32, #tpu.memory_space<hbm>>) target_semaphore(%run_scoped3A : memref<!tpu.dma_semaphore, #tpu.memory_space<semaphore_mem>>)
        %dma_wait3A = arith.constant 0 : i32
        %dma_wait3A_23 = tpu.memref_slice %arg5[%add3A_18, %dma_wait3A] : memref<50000x64xf32, #tpu.memory_space<hbm>> -> memref<8x64xf32, #tpu.memory_space<hbm>>
        %dma_wait3A_24 = arith.constant 24992 : i32
        %dma_wait3A_25 = arith.constant 0 : i32
        %dma_wait3A_26 = tpu.memref_slice %arg8[%dma_wait3A_24, %dma_wait3A_25] : memref<25008x64xf32, #tpu.memory_space<vmem_shared>> -> memref<8x64xf32, #tpu.memory_space<vmem_shared>>
        tpu.wait_dma2 semaphore(%run_scoped3A : memref<!tpu.dma_semaphore, #tpu.memory_space<semaphore_mem>>) src(%dma_wait3A_26 : memref<8x64xf32, #tpu.memory_space<vmem_shared>>) dst(%dma_wait3A_23 : memref<8x64xf32, #tpu.memory_space<hbm>>)
        tpu.yield
      }) : () -> ()
    } else {
    }
    return
  }
}

#map = affine_map<(d0, d1) -> (0, 0)>
#map1 = affine_map<(d0, d1) -> (0)>
module attributes {stable_mosaic.version = 14 : i64} {
  func.func @_sc_gather(%arg0: i32, %arg1: i32, %arg2: memref<50000x64xf32, #tpu.memory_space<hbm>>, %arg3: memref<819200xi32, #tpu.memory_space<hbm>>, %arg4: memref<819200xi32, #tpu.memory_space<hbm>>, %arg5: memref<819200x64xf32, #tpu.memory_space<hbm>>, %arg6: memref<819200x64xf32, #tpu.memory_space<hbm>>, %arg7: memref<400xi32, #tpu.memory_space<vmem>>, %arg8: memref<400xi32, #tpu.memory_space<vmem>>, %arg9: memref<400x64xf32, #tpu.memory_space<vmem>>, %arg10: memref<400x64xf32, #tpu.memory_space<vmem>>, %arg11: memref<!tpu.dma_semaphore, #tpu.memory_space<semaphore_mem>>, %arg12: memref<!tpu.dma_semaphore, #tpu.memory_space<semaphore_mem>>) attributes {dimension_semantics = [#tpu.dimension_semantics<core_parallel>, #tpu.dimension_semantics<subcore_parallel>], iteration_bounds = array<i64: 2, 16>, scalar_prefetch = 0 : i64, scratch_operands = 6 : i64, tpu.core_type = #tpu.core_type<sc_vector_subcore>, window_params = [{transform_indices = #map}, {transform_indices = #map1}, {transform_indices = #map1}, {transform_indices = #map}, {transform_indices = #map}]} {
    %mul3A = arith.constant 2 : i32
    %mul3A_0 = arith.muli %arg1, %mul3A : i32
    %add3A = arith.addi %mul3A_0, %arg0 : i32
    %scan3A = arith.constant 0 : i32
    %scan3A_1 = arith.constant 0 : i32
    %scan3A_2 = arith.constant 64 : i32
    %scan3A_3 = arith.addi %scan3A_1, %scan3A_2 : i32
    %scan3A_4 = arith.constant 1 : i32
    scf.for %scan3A_6 = %scan3A_1 to %scan3A_3 step %scan3A_4  : i32 {
      %mul3A_7 = arith.constant 32 : i32
      %mul3A_8 = arith.muli %mul3A_7, %scan3A_6 : i32
      %add3A_9 = arith.addi %add3A, %mul3A_8 : i32
      %mul3A_10 = arith.constant 400 : i32
      %mul3A_11 = arith.muli %add3A_9, %mul3A_10 : i32
      "tpu.region"() ({
        %run_scoped3A = tpu.sem_alloc : memref<!tpu.dma_semaphore, #tpu.memory_space<semaphore_mem>>
        %dma_start3A_22 = tpu.memref_slice %arg3[%mul3A_11] : memref<819200xi32, #tpu.memory_space<hbm>> -> memref<400xi32, #tpu.memory_space<hbm>>
        %dma_start3A_23 = tpu.memref_slice %arg3[%mul3A_11] : memref<819200xi32, #tpu.memory_space<hbm>> -> memref<400xi32, #tpu.memory_space<hbm>>
        tpu.enqueue_dma source(%dma_start3A_23 : memref<400xi32, #tpu.memory_space<hbm>>) target(%arg7 : memref<400xi32, #tpu.memory_space<vmem>>) target_semaphore(%run_scoped3A : memref<!tpu.dma_semaphore, #tpu.memory_space<semaphore_mem>>)
        %dma_wait3A_24 = tpu.memref_slice %arg3[%mul3A_11] : memref<819200xi32, #tpu.memory_space<hbm>> -> memref<400xi32, #tpu.memory_space<hbm>>
        %dma_wait3A_25 = tpu.memref_slice %arg3[%mul3A_11] : memref<819200xi32, #tpu.memory_space<hbm>> -> memref<400xi32, #tpu.memory_space<hbm>>
        tpu.wait_dma2 semaphore(%run_scoped3A : memref<!tpu.dma_semaphore, #tpu.memory_space<semaphore_mem>>) src(%dma_wait3A_25 : memref<400xi32, #tpu.memory_space<hbm>>) dst(%arg7 : memref<400xi32, #tpu.memory_space<vmem>>)
        tpu.yield
      }) : () -> ()
      "tpu.region"() ({
        %run_scoped3A = tpu.sem_alloc : memref<!tpu.dma_semaphore, #tpu.memory_space<semaphore_mem>>
        %dma_start3A_22 = tpu.memref_slice %arg4[%mul3A_11] : memref<819200xi32, #tpu.memory_space<hbm>> -> memref<400xi32, #tpu.memory_space<hbm>>
        %dma_start3A_23 = tpu.memref_slice %arg4[%mul3A_11] : memref<819200xi32, #tpu.memory_space<hbm>> -> memref<400xi32, #tpu.memory_space<hbm>>
        tpu.enqueue_dma source(%dma_start3A_23 : memref<400xi32, #tpu.memory_space<hbm>>) target(%arg8 : memref<400xi32, #tpu.memory_space<vmem>>) target_semaphore(%run_scoped3A : memref<!tpu.dma_semaphore, #tpu.memory_space<semaphore_mem>>)
        %dma_wait3A_24 = tpu.memref_slice %arg4[%mul3A_11] : memref<819200xi32, #tpu.memory_space<hbm>> -> memref<400xi32, #tpu.memory_space<hbm>>
        %dma_wait3A_25 = tpu.memref_slice %arg4[%mul3A_11] : memref<819200xi32, #tpu.memory_space<hbm>> -> memref<400xi32, #tpu.memory_space<hbm>>
        tpu.wait_dma2 semaphore(%run_scoped3A : memref<!tpu.dma_semaphore, #tpu.memory_space<semaphore_mem>>) src(%dma_wait3A_25 : memref<400xi32, #tpu.memory_space<hbm>>) dst(%arg8 : memref<400xi32, #tpu.memory_space<vmem>>)
        tpu.yield
      }) : () -> ()
      %dma_start3A = arith.constant 0 : i32
      %dma_start3A_12 = arith.constant 0 : i32
      %dma_start3A_13 = tpu.memref_slice %arg2[%dma_start3A, %dma_start3A_12] : memref<50000x64xf32, #tpu.memory_space<hbm>> -> memref<50000x64xf32, #tpu.memory_space<hbm>>
      tpu.enqueue_indirect_dma source(%dma_start3A_13 : memref<50000x64xf32, #tpu.memory_space<hbm>>) target(%arg9 : memref<400x64xf32, #tpu.memory_space<vmem>>) offsets(%arg7 : memref<400xi32, #tpu.memory_space<vmem>>) semaphore(%arg11 : memref<!tpu.dma_semaphore, #tpu.memory_space<semaphore_mem>>)
      %dma_start3A_14 = arith.constant 0 : i32
      %dma_start3A_15 = arith.constant 0 : i32
      %dma_start3A_16 = tpu.memref_slice %arg2[%dma_start3A_14, %dma_start3A_15] : memref<50000x64xf32, #tpu.memory_space<hbm>> -> memref<50000x64xf32, #tpu.memory_space<hbm>>
      tpu.enqueue_indirect_dma source(%dma_start3A_16 : memref<50000x64xf32, #tpu.memory_space<hbm>>) target(%arg10 : memref<400x64xf32, #tpu.memory_space<vmem>>) offsets(%arg8 : memref<400xi32, #tpu.memory_space<vmem>>) semaphore(%arg12 : memref<!tpu.dma_semaphore, #tpu.memory_space<semaphore_mem>>)
      %dma_wait3A = arith.constant 0 : i32
      %dma_wait3A_17 = arith.constant 0 : i32
      %dma_wait3A_18 = tpu.memref_slice %arg2[%dma_wait3A, %dma_wait3A_17] : memref<50000x64xf32, #tpu.memory_space<hbm>> -> memref<50000x64xf32, #tpu.memory_space<hbm>>
      tpu.wait_indirect_dma semaphore(%arg11 : memref<!tpu.dma_semaphore, #tpu.memory_space<semaphore_mem>>) src(%dma_wait3A_18 : memref<50000x64xf32, #tpu.memory_space<hbm>>) dst(%arg9 : memref<400x64xf32, #tpu.memory_space<vmem>>)
      %dma_wait3A_19 = arith.constant 0 : i32
      %dma_wait3A_20 = arith.constant 0 : i32
      %dma_wait3A_21 = tpu.memref_slice %arg2[%dma_wait3A_19, %dma_wait3A_20] : memref<50000x64xf32, #tpu.memory_space<hbm>> -> memref<50000x64xf32, #tpu.memory_space<hbm>>
      tpu.wait_indirect_dma semaphore(%arg12 : memref<!tpu.dma_semaphore, #tpu.memory_space<semaphore_mem>>) src(%dma_wait3A_21 : memref<50000x64xf32, #tpu.memory_space<hbm>>) dst(%arg10 : memref<400x64xf32, #tpu.memory_space<vmem>>)
      "tpu.region"() ({
        %run_scoped3A = tpu.sem_alloc : memref<!tpu.dma_semaphore, #tpu.memory_space<semaphore_mem>>
        %dma_start3A_22 = arith.constant 0 : i32
        %dma_start3A_23 = tpu.memref_slice %arg5[%mul3A_11, %dma_start3A_22] : memref<819200x64xf32, #tpu.memory_space<hbm>> -> memref<400x64xf32, #tpu.memory_space<hbm>>
        %dma_start3A_24 = arith.constant 0 : i32
        %dma_start3A_25 = tpu.memref_slice %arg5[%mul3A_11, %dma_start3A_24] : memref<819200x64xf32, #tpu.memory_space<hbm>> -> memref<400x64xf32, #tpu.memory_space<hbm>>
        tpu.enqueue_dma source(%arg9 : memref<400x64xf32, #tpu.memory_space<vmem>>) target(%dma_start3A_25 : memref<400x64xf32, #tpu.memory_space<hbm>>) target_semaphore(%run_scoped3A : memref<!tpu.dma_semaphore, #tpu.memory_space<semaphore_mem>>)
        %dma_wait3A_26 = arith.constant 0 : i32
        %dma_wait3A_27 = tpu.memref_slice %arg5[%mul3A_11, %dma_wait3A_26] : memref<819200x64xf32, #tpu.memory_space<hbm>> -> memref<400x64xf32, #tpu.memory_space<hbm>>
        %dma_wait3A_28 = arith.constant 0 : i32
        %dma_wait3A_29 = tpu.memref_slice %arg5[%mul3A_11, %dma_wait3A_28] : memref<819200x64xf32, #tpu.memory_space<hbm>> -> memref<400x64xf32, #tpu.memory_space<hbm>>
        tpu.wait_dma2 semaphore(%run_scoped3A : memref<!tpu.dma_semaphore, #tpu.memory_space<semaphore_mem>>) src(%arg9 : memref<400x64xf32, #tpu.memory_space<vmem>>) dst(%dma_wait3A_29 : memref<400x64xf32, #tpu.memory_space<hbm>>)
        tpu.yield
      }) : () -> ()
      "tpu.region"() ({
        %run_scoped3A = tpu.sem_alloc : memref<!tpu.dma_semaphore, #tpu.memory_space<semaphore_mem>>
        %dma_start3A_22 = arith.constant 0 : i32
        %dma_start3A_23 = tpu.memref_slice %arg6[%mul3A_11, %dma_start3A_22] : memref<819200x64xf32, #tpu.memory_space<hbm>> -> memref<400x64xf32, #tpu.memory_space<hbm>>
        %dma_start3A_24 = arith.constant 0 : i32
        %dma_start3A_25 = tpu.memref_slice %arg6[%mul3A_11, %dma_start3A_24] : memref<819200x64xf32, #tpu.memory_space<hbm>> -> memref<400x64xf32, #tpu.memory_space<hbm>>
        tpu.enqueue_dma source(%arg10 : memref<400x64xf32, #tpu.memory_space<vmem>>) target(%dma_start3A_25 : memref<400x64xf32, #tpu.memory_space<hbm>>) target_semaphore(%run_scoped3A : memref<!tpu.dma_semaphore, #tpu.memory_space<semaphore_mem>>)
        %dma_wait3A_26 = arith.constant 0 : i32
        %dma_wait3A_27 = tpu.memref_slice %arg6[%mul3A_11, %dma_wait3A_26] : memref<819200x64xf32, #tpu.memory_space<hbm>> -> memref<400x64xf32, #tpu.memory_space<hbm>>
        %dma_wait3A_28 = arith.constant 0 : i32
        %dma_wait3A_29 = tpu.memref_slice %arg6[%mul3A_11, %dma_wait3A_28] : memref<819200x64xf32, #tpu.memory_space<hbm>> -> memref<400x64xf32, #tpu.memory_space<hbm>>
        tpu.wait_dma2 semaphore(%run_scoped3A : memref<!tpu.dma_semaphore, #tpu.memory_space<semaphore_mem>>) src(%arg10 : memref<400x64xf32, #tpu.memory_space<vmem>>) dst(%dma_wait3A_29 : memref<400x64xf32, #tpu.memory_space<hbm>>)
        tpu.yield
      }) : () -> ()
    }
    %scan3A_5 = arith.constant 64 : i32
    return
  }
}

#map = affine_map<(d0, d1) -> (0, 0)>
#map1 = affine_map<(d0, d1) -> (0)>
module attributes {stable_mosaic.version = 14 : i64} {
  func.func @_sc_gather(%arg0: i32, %arg1: i32, %arg2: memref<50000x64xf32, #tpu.memory_space<hbm>>, %arg3: memref<819200xi32, #tpu.memory_space<hbm>>, %arg4: memref<819200xi32, #tpu.memory_space<hbm>>, %arg5: memref<819200x64xf32, #tpu.memory_space<hbm>>, %arg6: memref<819200x64xf32, #tpu.memory_space<hbm>>, %arg7: memref<400xi32, #tpu.memory_space<vmem>>, %arg8: memref<400xi32, #tpu.memory_space<vmem>>, %arg9: memref<400x64xf32, #tpu.memory_space<vmem>>, %arg10: memref<400x64xf32, #tpu.memory_space<vmem>>, %arg11: memref<!tpu.dma_semaphore, #tpu.memory_space<semaphore_mem>>, %arg12: memref<!tpu.dma_semaphore, #tpu.memory_space<semaphore_mem>>) attributes {dimension_semantics = [#tpu.dimension_semantics<core_parallel>, #tpu.dimension_semantics<subcore_parallel>], iteration_bounds = array<i64: 2, 16>, scalar_prefetch = 0 : i64, scratch_operands = 6 : i64, tpu.core_type = #tpu.core_type<sc_vector_subcore>, window_params = [{transform_indices = #map}, {transform_indices = #map1}, {transform_indices = #map1}, {transform_indices = #map}, {transform_indices = #map}]} {
    %mul3A = arith.constant 2 : i32
    %mul3A_0 = arith.muli %arg1, %mul3A : i32
    %add3A = arith.addi %mul3A_0, %arg0 : i32
    %scan3A = arith.constant 0 : i32
    %scan3A_1 = arith.constant 0 : i32
    %scan3A_2 = arith.constant 64 : i32
    %scan3A_3 = arith.addi %scan3A_1, %scan3A_2 : i32
    %scan3A_4 = arith.constant 1 : i32
    scf.for %scan3A_6 = %scan3A_1 to %scan3A_3 step %scan3A_4  : i32 {
      %mul3A_7 = arith.constant 32 : i32
      %mul3A_8 = arith.muli %mul3A_7, %scan3A_6 : i32
      %add3A_9 = arith.addi %add3A, %mul3A_8 : i32
      %mul3A_10 = arith.constant 400 : i32
      %mul3A_11 = arith.muli %add3A_9, %mul3A_10 : i32
      "tpu.region"() ({
        %run_scoped3A = tpu.sem_alloc : memref<!tpu.dma_semaphore, #tpu.memory_space<semaphore_mem>>
        %dma_start3A_22 = tpu.memref_slice %arg3[%mul3A_11] : memref<819200xi32, #tpu.memory_space<hbm>> -> memref<400xi32, #tpu.memory_space<hbm>>
        %dma_start3A_23 = tpu.memref_slice %arg3[%mul3A_11] : memref<819200xi32, #tpu.memory_space<hbm>> -> memref<400xi32, #tpu.memory_space<hbm>>
        tpu.enqueue_dma source(%dma_start3A_23 : memref<400xi32, #tpu.memory_space<hbm>>) target(%arg7 : memref<400xi32, #tpu.memory_space<vmem>>) target_semaphore(%run_scoped3A : memref<!tpu.dma_semaphore, #tpu.memory_space<semaphore_mem>>)
        %dma_wait3A_24 = tpu.memref_slice %arg3[%mul3A_11] : memref<819200xi32, #tpu.memory_space<hbm>> -> memref<400xi32, #tpu.memory_space<hbm>>
        %dma_wait3A_25 = tpu.memref_slice %arg3[%mul3A_11] : memref<819200xi32, #tpu.memory_space<hbm>> -> memref<400xi32, #tpu.memory_space<hbm>>
        tpu.wait_dma2 semaphore(%run_scoped3A : memref<!tpu.dma_semaphore, #tpu.memory_space<semaphore_mem>>) src(%dma_wait3A_25 : memref<400xi32, #tpu.memory_space<hbm>>) dst(%arg7 : memref<400xi32, #tpu.memory_space<vmem>>)
        tpu.yield
      }) : () -> ()
      "tpu.region"() ({
        %run_scoped3A = tpu.sem_alloc : memref<!tpu.dma_semaphore, #tpu.memory_space<semaphore_mem>>
        %dma_start3A_22 = tpu.memref_slice %arg4[%mul3A_11] : memref<819200xi32, #tpu.memory_space<hbm>> -> memref<400xi32, #tpu.memory_space<hbm>>
        %dma_start3A_23 = tpu.memref_slice %arg4[%mul3A_11] : memref<819200xi32, #tpu.memory_space<hbm>> -> memref<400xi32, #tpu.memory_space<hbm>>
        tpu.enqueue_dma source(%dma_start3A_23 : memref<400xi32, #tpu.memory_space<hbm>>) target(%arg8 : memref<400xi32, #tpu.memory_space<vmem>>) target_semaphore(%run_scoped3A : memref<!tpu.dma_semaphore, #tpu.memory_space<semaphore_mem>>)
        %dma_wait3A_24 = tpu.memref_slice %arg4[%mul3A_11] : memref<819200xi32, #tpu.memory_space<hbm>> -> memref<400xi32, #tpu.memory_space<hbm>>
        %dma_wait3A_25 = tpu.memref_slice %arg4[%mul3A_11] : memref<819200xi32, #tpu.memory_space<hbm>> -> memref<400xi32, #tpu.memory_space<hbm>>
        tpu.wait_dma2 semaphore(%run_scoped3A : memref<!tpu.dma_semaphore, #tpu.memory_space<semaphore_mem>>) src(%dma_wait3A_25 : memref<400xi32, #tpu.memory_space<hbm>>) dst(%arg8 : memref<400xi32, #tpu.memory_space<vmem>>)
        tpu.yield
      }) : () -> ()
      %dma_start3A = arith.constant 0 : i32
      %dma_start3A_12 = arith.constant 0 : i32
      %dma_start3A_13 = tpu.memref_slice %arg2[%dma_start3A, %dma_start3A_12] : memref<50000x64xf32, #tpu.memory_space<hbm>> -> memref<50000x64xf32, #tpu.memory_space<hbm>>
      tpu.enqueue_indirect_dma source(%dma_start3A_13 : memref<50000x64xf32, #tpu.memory_space<hbm>>) target(%arg9 : memref<400x64xf32, #tpu.memory_space<vmem>>) offsets(%arg7 : memref<400xi32, #tpu.memory_space<vmem>>) semaphore(%arg11 : memref<!tpu.dma_semaphore, #tpu.memory_space<semaphore_mem>>)
      %dma_start3A_14 = arith.constant 0 : i32
      %dma_start3A_15 = arith.constant 0 : i32
      %dma_start3A_16 = tpu.memref_slice %arg2[%dma_start3A_14, %dma_start3A_15] : memref<50000x64xf32, #tpu.memory_space<hbm>> -> memref<50000x64xf32, #tpu.memory_space<hbm>>
      tpu.enqueue_indirect_dma source(%dma_start3A_16 : memref<50000x64xf32, #tpu.memory_space<hbm>>) target(%arg10 : memref<400x64xf32, #tpu.memory_space<vmem>>) offsets(%arg8 : memref<400xi32, #tpu.memory_space<vmem>>) semaphore(%arg12 : memref<!tpu.dma_semaphore, #tpu.memory_space<semaphore_mem>>)
      %dma_wait3A = arith.constant 0 : i32
      %dma_wait3A_17 = arith.constant 0 : i32
      %dma_wait3A_18 = tpu.memref_slice %arg2[%dma_wait3A, %dma_wait3A_17] : memref<50000x64xf32, #tpu.memory_space<hbm>> -> memref<50000x64xf32, #tpu.memory_space<hbm>>
      tpu.wait_indirect_dma semaphore(%arg11 : memref<!tpu.dma_semaphore, #tpu.memory_space<semaphore_mem>>) src(%dma_wait3A_18 : memref<50000x64xf32, #tpu.memory_space<hbm>>) dst(%arg9 : memref<400x64xf32, #tpu.memory_space<vmem>>)
      %dma_wait3A_19 = arith.constant 0 : i32
      %dma_wait3A_20 = arith.constant 0 : i32
      %dma_wait3A_21 = tpu.memref_slice %arg2[%dma_wait3A_19, %dma_wait3A_20] : memref<50000x64xf32, #tpu.memory_space<hbm>> -> memref<50000x64xf32, #tpu.memory_space<hbm>>
      tpu.wait_indirect_dma semaphore(%arg12 : memref<!tpu.dma_semaphore, #tpu.memory_space<semaphore_mem>>) src(%dma_wait3A_21 : memref<50000x64xf32, #tpu.memory_space<hbm>>) dst(%arg10 : memref<400x64xf32, #tpu.memory_space<vmem>>)
      "tpu.region"() ({
        %run_scoped3A = tpu.sem_alloc : memref<!tpu.dma_semaphore, #tpu.memory_space<semaphore_mem>>
        %dma_start3A_22 = arith.constant 0 : i32
        %dma_start3A_23 = tpu.memref_slice %arg5[%mul3A_11, %dma_start3A_22] : memref<819200x64xf32, #tpu.memory_space<hbm>> -> memref<400x64xf32, #tpu.memory_space<hbm>>
        %dma_start3A_24 = arith.constant 0 : i32
        %dma_start3A_25 = tpu.memref_slice %arg5[%mul3A_11, %dma_start3A_24] : memref<819200x64xf32, #tpu.memory_space<hbm>> -> memref<400x64xf32, #tpu.memory_space<hbm>>
        tpu.enqueue_dma source(%arg9 : memref<400x64xf32, #tpu.memory_space<vmem>>) target(%dma_start3A_25 : memref<400x64xf32, #tpu.memory_space<hbm>>) target_semaphore(%run_scoped3A : memref<!tpu.dma_semaphore, #tpu.memory_space<semaphore_mem>>)
        %dma_wait3A_26 = arith.constant 0 : i32
        %dma_wait3A_27 = tpu.memref_slice %arg5[%mul3A_11, %dma_wait3A_26] : memref<819200x64xf32, #tpu.memory_space<hbm>> -> memref<400x64xf32, #tpu.memory_space<hbm>>
        %dma_wait3A_28 = arith.constant 0 : i32
        %dma_wait3A_29 = tpu.memref_slice %arg5[%mul3A_11, %dma_wait3A_28] : memref<819200x64xf32, #tpu.memory_space<hbm>> -> memref<400x64xf32, #tpu.memory_space<hbm>>
        tpu.wait_dma2 semaphore(%run_scoped3A : memref<!tpu.dma_semaphore, #tpu.memory_space<semaphore_mem>>) src(%arg9 : memref<400x64xf32, #tpu.memory_space<vmem>>) dst(%dma_wait3A_29 : memref<400x64xf32, #tpu.memory_space<hbm>>)
        tpu.yield
      }) : () -> ()
      "tpu.region"() ({
        %run_scoped3A = tpu.sem_alloc : memref<!tpu.dma_semaphore, #tpu.memory_space<semaphore_mem>>
        %dma_start3A_22 = arith.constant 0 : i32
        %dma_start3A_23 = tpu.memref_slice %arg6[%mul3A_11, %dma_start3A_22] : memref<819200x64xf32, #tpu.memory_space<hbm>> -> memref<400x64xf32, #tpu.memory_space<hbm>>
        %dma_start3A_24 = arith.constant 0 : i32
        %dma_start3A_25 = tpu.memref_slice %arg6[%mul3A_11, %dma_start3A_24] : memref<819200x64xf32, #tpu.memory_space<hbm>> -> memref<400x64xf32, #tpu.memory_space<hbm>>
        tpu.enqueue_dma source(%arg10 : memref<400x64xf32, #tpu.memory_space<vmem>>) target(%dma_start3A_25 : memref<400x64xf32, #tpu.memory_space<hbm>>) target_semaphore(%run_scoped3A : memref<!tpu.dma_semaphore, #tpu.memory_space<semaphore_mem>>)
        %dma_wait3A_26 = arith.constant 0 : i32
        %dma_wait3A_27 = tpu.memref_slice %arg6[%mul3A_11, %dma_wait3A_26] : memref<819200x64xf32, #tpu.memory_space<hbm>> -> memref<400x64xf32, #tpu.memory_space<hbm>>
        %dma_wait3A_28 = arith.constant 0 : i32
        %dma_wait3A_29 = tpu.memref_slice %arg6[%mul3A_11, %dma_wait3A_28] : memref<819200x64xf32, #tpu.memory_space<hbm>> -> memref<400x64xf32, #tpu.memory_space<hbm>>
        tpu.wait_dma2 semaphore(%run_scoped3A : memref<!tpu.dma_semaphore, #tpu.memory_space<semaphore_mem>>) src(%arg10 : memref<400x64xf32, #tpu.memory_space<vmem>>) dst(%dma_wait3A_29 : memref<400x64xf32, #tpu.memory_space<hbm>>)
        tpu.yield
      }) : () -> ()
    }
    %scan3A_5 = arith.constant 64 : i32
    return
  }
}

#map = affine_map<(d0, d1) -> (0, 0)>
#map1 = affine_map<(d0, d1) -> (0)>
module attributes {stable_mosaic.version = 14 : i64} {
  func.func @_sc_scatter(%arg0: i32, %arg1: i32, %arg2: memref<819200x64xf32, #tpu.memory_space<hbm>>, %arg3: memref<1638400xi32, #tpu.memory_space<hbm>>, %arg4: memref<25008x64xf32, #tpu.memory_space<hbm>>, %arg5: memref<50000x64xf32, #tpu.memory_space<hbm>>, %arg6: memref<400xi32, #tpu.memory_space<vmem>>, %arg7: memref<400x64xf32, #tpu.memory_space<vmem>>, %arg8: memref<25008x64xf32, #tpu.memory_space<vmem_shared>>) attributes {dimension_semantics = [#tpu.dimension_semantics<core_parallel>, #tpu.dimension_semantics<subcore_parallel>], iteration_bounds = array<i64: 2, 16>, scalar_prefetch = 0 : i64, scratch_operands = 3 : i64, tpu.core_type = #tpu.core_type<sc_vector_subcore>, window_params = [{transform_indices = #map}, {transform_indices = #map1}, {transform_indices = #map}, {transform_indices = #map}]} {
    %mul3A = arith.constant 25000 : i32
    %mul3A_0 = arith.muli %arg0, %mul3A : i32
    %mul3A_1 = arith.constant 1563 : i32
    %mul3A_2 = arith.muli %arg1, %mul3A_1 : i32
    %mul3A_3 = arith.constant 1563 : i32
    %mul3A_4 = arith.muli %arg1, %mul3A_3 : i32
    "tpu.region"() ({
      %run_scoped3A = tpu.sem_alloc : memref<!tpu.dma_semaphore, #tpu.memory_space<semaphore_mem>>
      %dma_start3A = arith.constant 0 : i32
      %dma_start3A_17 = tpu.memref_slice %arg8[%mul3A_4, %dma_start3A] : memref<25008x64xf32, #tpu.memory_space<vmem_shared>> -> memref<1563x64xf32, #tpu.memory_space<vmem_shared>>
      %dma_start3A_18 = arith.constant 0 : i32
      %dma_start3A_19 = tpu.memref_slice %arg4[%mul3A_2, %dma_start3A_18] : memref<25008x64xf32, #tpu.memory_space<hbm>> -> memref<1563x64xf32, #tpu.memory_space<hbm>>
      tpu.enqueue_dma source(%dma_start3A_19 : memref<1563x64xf32, #tpu.memory_space<hbm>>) target(%dma_start3A_17 : memref<1563x64xf32, #tpu.memory_space<vmem_shared>>) target_semaphore(%run_scoped3A : memref<!tpu.dma_semaphore, #tpu.memory_space<semaphore_mem>>)
      %dma_wait3A = arith.constant 0 : i32
      %dma_wait3A_20 = tpu.memref_slice %arg8[%mul3A_4, %dma_wait3A] : memref<25008x64xf32, #tpu.memory_space<vmem_shared>> -> memref<1563x64xf32, #tpu.memory_space<vmem_shared>>
      %dma_wait3A_21 = arith.constant 0 : i32
      %dma_wait3A_22 = tpu.memref_slice %arg4[%mul3A_2, %dma_wait3A_21] : memref<25008x64xf32, #tpu.memory_space<hbm>> -> memref<1563x64xf32, #tpu.memory_space<hbm>>
      tpu.wait_dma2 semaphore(%run_scoped3A : memref<!tpu.dma_semaphore, #tpu.memory_space<semaphore_mem>>) src(%dma_wait3A_22 : memref<1563x64xf32, #tpu.memory_space<hbm>>) dst(%dma_wait3A_20 : memref<1563x64xf32, #tpu.memory_space<vmem_shared>>)
      tpu.yield
    }) : () -> ()
    %barrier3A = arith.constant 0 : index
    tpu.barrier barrier_id(%barrier3A)
    %eq3A = arith.constant 0 : i32
    %eq3A_5 = arith.cmpi eq, %arg1, %eq3A : i32
    %convert_element_type3A = arith.extui %eq3A_5 : i1 to i32
    %cond3A = arith.constant 0 : i32
    %cond3A_6 = arith.cmpi ne, %convert_element_type3A, %cond3A : i32
    scf.if %cond3A_6 {
      %scan3A = arith.constant 0 : i32
      %scan3A_17 = arith.constant 0 : i32
      %scan3A_18 = arith.constant 2048 : i32
      %scan3A_19 = arith.addi %scan3A_17, %scan3A_18 : i32
      %scan3A_20 = arith.constant 1 : i32
      scf.for %scan3A_22 = %scan3A_17 to %scan3A_19 step %scan3A_20  : i32 {
        %mul3A_23 = arith.constant 400 : i32
        %mul3A_24 = arith.muli %scan3A_22, %mul3A_23 : i32
        %mul3A_25 = arith.constant 819200 : i32
        %mul3A_26 = arith.muli %arg0, %mul3A_25 : i32
        %add3A_27 = arith.addi %mul3A_26, %mul3A_24 : i32
        "tpu.region"() ({
          %run_scoped3A = tpu.sem_alloc : memref<!tpu.dma_semaphore, #tpu.memory_space<semaphore_mem>>
          %dma_start3A = tpu.memref_slice %arg3[%add3A_27] : memref<1638400xi32, #tpu.memory_space<hbm>> -> memref<400xi32, #tpu.memory_space<hbm>>
          %dma_start3A_28 = tpu.memref_slice %arg3[%add3A_27] : memref<1638400xi32, #tpu.memory_space<hbm>> -> memref<400xi32, #tpu.memory_space<hbm>>
          tpu.enqueue_dma source(%dma_start3A_28 : memref<400xi32, #tpu.memory_space<hbm>>) target(%arg6 : memref<400xi32, #tpu.memory_space<vmem>>) target_semaphore(%run_scoped3A : memref<!tpu.dma_semaphore, #tpu.memory_space<semaphore_mem>>)
          %dma_wait3A = tpu.memref_slice %arg3[%add3A_27] : memref<1638400xi32, #tpu.memory_space<hbm>> -> memref<400xi32, #tpu.memory_space<hbm>>
          %dma_wait3A_29 = tpu.memref_slice %arg3[%add3A_27] : memref<1638400xi32, #tpu.memory_space<hbm>> -> memref<400xi32, #tpu.memory_space<hbm>>
          tpu.wait_dma2 semaphore(%run_scoped3A : memref<!tpu.dma_semaphore, #tpu.memory_space<semaphore_mem>>) src(%dma_wait3A_29 : memref<400xi32, #tpu.memory_space<hbm>>) dst(%arg6 : memref<400xi32, #tpu.memory_space<vmem>>)
          tpu.yield
        }) : () -> ()
        "tpu.region"() ({
          %run_scoped3A = tpu.sem_alloc : memref<!tpu.dma_semaphore, #tpu.memory_space<semaphore_mem>>
          %dma_start3A = arith.constant 0 : i32
          %dma_start3A_28 = tpu.memref_slice %arg2[%mul3A_24, %dma_start3A] : memref<819200x64xf32, #tpu.memory_space<hbm>> -> memref<400x64xf32, #tpu.memory_space<hbm>>
          %dma_start3A_29 = arith.constant 0 : i32
          %dma_start3A_30 = tpu.memref_slice %arg2[%mul3A_24, %dma_start3A_29] : memref<819200x64xf32, #tpu.memory_space<hbm>> -> memref<400x64xf32, #tpu.memory_space<hbm>>
          tpu.enqueue_dma source(%dma_start3A_30 : memref<400x64xf32, #tpu.memory_space<hbm>>) target(%arg7 : memref<400x64xf32, #tpu.memory_space<vmem>>) target_semaphore(%run_scoped3A : memref<!tpu.dma_semaphore, #tpu.memory_space<semaphore_mem>>)
          %dma_wait3A = arith.constant 0 : i32
          %dma_wait3A_31 = tpu.memref_slice %arg2[%mul3A_24, %dma_wait3A] : memref<819200x64xf32, #tpu.memory_space<hbm>> -> memref<400x64xf32, #tpu.memory_space<hbm>>
          %dma_wait3A_32 = arith.constant 0 : i32
          %dma_wait3A_33 = tpu.memref_slice %arg2[%mul3A_24, %dma_wait3A_32] : memref<819200x64xf32, #tpu.memory_space<hbm>> -> memref<400x64xf32, #tpu.memory_space<hbm>>
          tpu.wait_dma2 semaphore(%run_scoped3A : memref<!tpu.dma_semaphore, #tpu.memory_space<semaphore_mem>>) src(%dma_wait3A_33 : memref<400x64xf32, #tpu.memory_space<hbm>>) dst(%arg7 : memref<400x64xf32, #tpu.memory_space<vmem>>)
          tpu.yield
        }) : () -> ()
        "tpu.region"() ({
          %run_scoped3A = tpu.sem_alloc : memref<!tpu.dma_semaphore, #tpu.memory_space<semaphore_mem>>
          %dma_start3A = arith.constant 0 : i32
          %dma_start3A_28 = arith.constant 0 : i32
          %dma_start3A_29 = tpu.memref_slice %arg8[%dma_start3A, %dma_start3A_28] : memref<25008x64xf32, #tpu.memory_space<vmem_shared>> -> memref<25008x64xf32, #tpu.memory_space<vmem_shared>>
          tpu.enqueue_indirect_dma source(%arg7 : memref<400x64xf32, #tpu.memory_space<vmem>>) target(%dma_start3A_29 : memref<25008x64xf32, #tpu.memory_space<vmem_shared>>) offsets(%arg6 : memref<400xi32, #tpu.memory_space<vmem>>) semaphore(%run_scoped3A : memref<!tpu.dma_semaphore, #tpu.memory_space<semaphore_mem>>) {add = true}
          %dma_wait3A = arith.constant 0 : i32
          %dma_wait3A_30 = arith.constant 0 : i32
          %dma_wait3A_31 = tpu.memref_slice %arg8[%dma_wait3A, %dma_wait3A_30] : memref<25008x64xf32, #tpu.memory_space<vmem_shared>> -> memref<25008x64xf32, #tpu.memory_space<vmem_shared>>
          tpu.wait_indirect_dma semaphore(%run_scoped3A : memref<!tpu.dma_semaphore, #tpu.memory_space<semaphore_mem>>) src(%arg7 : memref<400x64xf32, #tpu.memory_space<vmem>>) dst(%dma_wait3A_31 : memref<25008x64xf32, #tpu.memory_space<vmem_shared>>)
          tpu.yield
        }) : () -> ()
      }
      %scan3A_21 = arith.constant 2048 : i32
    } else {
    }
    %barrier3A_7 = arith.constant 0 : index
    tpu.barrier barrier_id(%barrier3A_7)
    %mul3A_8 = arith.constant 1562 : i32
    %mul3A_9 = arith.muli %arg1, %mul3A_8 : i32
    %mul3A_10 = arith.constant 1562 : i32
    %mul3A_11 = arith.muli %arg1, %mul3A_10 : i32
    %add3A = arith.addi %mul3A_0, %mul3A_11 : i32
    "tpu.region"() ({
      %run_scoped3A = tpu.sem_alloc : memref<!tpu.dma_semaphore, #tpu.memory_space<semaphore_mem>>
      %dma_start3A = arith.constant 0 : i32
      %dma_start3A_17 = tpu.memref_slice %arg5[%add3A, %dma_start3A] : memref<50000x64xf32, #tpu.memory_space<hbm>> -> memref<1562x64xf32, #tpu.memory_space<hbm>>
      %dma_start3A_18 = arith.constant 0 : i32
      %dma_start3A_19 = tpu.memref_slice %arg8[%mul3A_9, %dma_start3A_18] : memref<25008x64xf32, #tpu.memory_space<vmem_shared>> -> memref<1562x64xf32, #tpu.memory_space<vmem_shared>>
      tpu.enqueue_dma source(%dma_start3A_19 : memref<1562x64xf32, #tpu.memory_space<vmem_shared>>) target(%dma_start3A_17 : memref<1562x64xf32, #tpu.memory_space<hbm>>) target_semaphore(%run_scoped3A : memref<!tpu.dma_semaphore, #tpu.memory_space<semaphore_mem>>)
      %dma_wait3A = arith.constant 0 : i32
      %dma_wait3A_20 = tpu.memref_slice %arg5[%add3A, %dma_wait3A] : memref<50000x64xf32, #tpu.memory_space<hbm>> -> memref<1562x64xf32, #tpu.memory_space<hbm>>
      %dma_wait3A_21 = arith.constant 0 : i32
      %dma_wait3A_22 = tpu.memref_slice %arg8[%mul3A_9, %dma_wait3A_21] : memref<25008x64xf32, #tpu.memory_space<vmem_shared>> -> memref<1562x64xf32, #tpu.memory_space<vmem_shared>>
      tpu.wait_dma2 semaphore(%run_scoped3A : memref<!tpu.dma_semaphore, #tpu.memory_space<semaphore_mem>>) src(%dma_wait3A_22 : memref<1562x64xf32, #tpu.memory_space<vmem_shared>>) dst(%dma_wait3A_20 : memref<1562x64xf32, #tpu.memory_space<hbm>>)
      tpu.yield
    }) : () -> ()
    %eq3A_12 = arith.constant 15 : i32
    %eq3A_13 = arith.cmpi eq, %arg1, %eq3A_12 : i32
    %convert_element_type3A_14 = arith.extui %eq3A_13 : i1 to i32
    %cond3A_15 = arith.constant 0 : i32
    %cond3A_16 = arith.cmpi ne, %convert_element_type3A_14, %cond3A_15 : i32
    scf.if %cond3A_16 {
      %add3A_17 = arith.constant 24992 : i32
      %add3A_18 = arith.addi %mul3A_0, %add3A_17 : i32
      "tpu.region"() ({
        %run_scoped3A = tpu.sem_alloc : memref<!tpu.dma_semaphore, #tpu.memory_space<semaphore_mem>>
        %dma_start3A = arith.constant 0 : i32
        %dma_start3A_19 = tpu.memref_slice %arg5[%add3A_18, %dma_start3A] : memref<50000x64xf32, #tpu.memory_space<hbm>> -> memref<8x64xf32, #tpu.memory_space<hbm>>
        %dma_start3A_20 = arith.constant 24992 : i32
        %dma_start3A_21 = arith.constant 0 : i32
        %dma_start3A_22 = tpu.memref_slice %arg8[%dma_start3A_20, %dma_start3A_21] : memref<25008x64xf32, #tpu.memory_space<vmem_shared>> -> memref<8x64xf32, #tpu.memory_space<vmem_shared>>
        tpu.enqueue_dma source(%dma_start3A_22 : memref<8x64xf32, #tpu.memory_space<vmem_shared>>) target(%dma_start3A_19 : memref<8x64xf32, #tpu.memory_space<hbm>>) target_semaphore(%run_scoped3A : memref<!tpu.dma_semaphore, #tpu.memory_space<semaphore_mem>>)
        %dma_wait3A = arith.constant 0 : i32
        %dma_wait3A_23 = tpu.memref_slice %arg5[%add3A_18, %dma_wait3A] : memref<50000x64xf32, #tpu.memory_space<hbm>> -> memref<8x64xf32, #tpu.memory_space<hbm>>
        %dma_wait3A_24 = arith.constant 24992 : i32
        %dma_wait3A_25 = arith.constant 0 : i32
        %dma_wait3A_26 = tpu.memref_slice %arg8[%dma_wait3A_24, %dma_wait3A_25] : memref<25008x64xf32, #tpu.memory_space<vmem_shared>> -> memref<8x64xf32, #tpu.memory_space<vmem_shared>>
        tpu.wait_dma2 semaphore(%run_scoped3A : memref<!tpu.dma_semaphore, #tpu.memory_space<semaphore_mem>>) src(%dma_wait3A_26 : memref<8x64xf32, #tpu.memory_space<vmem_shared>>) dst(%dma_wait3A_23 : memref<8x64xf32, #tpu.memory_space<hbm>>)
        tpu.yield
      }) : () -> ()
    } else {
    }
    return
  }
}

module attributes {stable_mosaic.version = 14 : i64} {
  func.func @_enc_body(%arg0: i32, %arg1: memref<2000x32xf32, #tpu.memory_space<vmem>>, %arg2: memref<32x64xf32, #tpu.memory_space<vmem>>, %arg3: memref<1x64xf32, #tpu.memory_space<vmem>>, %arg4: memref<64x64xf32, #tpu.memory_space<vmem>>, %arg5: memref<1x64xf32, #tpu.memory_space<vmem>>, %arg6: memref<64x64xf32, #tpu.memory_space<vmem>>, %arg7: memref<1x64xf32, #tpu.memory_space<vmem>>, %arg8: memref<1x64xf32, #tpu.memory_space<vmem>>, %arg9: memref<1x64xf32, #tpu.memory_space<vmem>>, %arg10: memref<2000x64xf32, #tpu.memory_space<vmem>>) attributes {dimension_semantics = [#tpu.dimension_semantics<arbitrary>], iteration_bounds = array<i64: 25>, scalar_prefetch = 0 : i64, scratch_operands = 0 : i64, tpu.core_type = #tpu.core_type<tc>, window_params = [{transform_indices = @transform_0, window_bounds = array<i64: 2000, 32>}, {pipeline_mode = #tpu.pipeline_mode<synchronous>, transform_indices = @transform_1, window_bounds = array<i64: 32, 64>}, {pipeline_mode = #tpu.pipeline_mode<synchronous>, transform_indices = @transform_2, window_bounds = array<i64: 1, 64>}, {pipeline_mode = #tpu.pipeline_mode<synchronous>, transform_indices = @transform_3, window_bounds = array<i64: 64, 64>}, {pipeline_mode = #tpu.pipeline_mode<synchronous>, transform_indices = @transform_4, window_bounds = array<i64: 1, 64>}, {pipeline_mode = #tpu.pipeline_mode<synchronous>, transform_indices = @transform_5, window_bounds = array<i64: 64, 64>}, {pipeline_mode = #tpu.pipeline_mode<synchronous>, transform_indices = @transform_6, window_bounds = array<i64: 1, 64>}, {pipeline_mode = #tpu.pipeline_mode<synchronous>, transform_indices = @transform_7, window_bounds = array<i64: 1, 64>}, {pipeline_mode = #tpu.pipeline_mode<synchronous>, transform_indices = @transform_8, window_bounds = array<i64: 1, 64>}, {transform_indices = @transform_9, window_bounds = array<i64: 2000, 64>}]} {
    %get3A = arith.constant 0 : index
    %get3A_0 = arith.constant 0 : index
    %get3A_1 = vector.load %arg1[%get3A, %get3A_0] : memref<2000x32xf32, #tpu.memory_space<vmem>>, vector<2000x32xf32>
    %get3A_2 = arith.constant 0 : index
    %get3A_3 = arith.constant 0 : index
    %get3A_4 = vector.load %arg2[%get3A_2, %get3A_3] : memref<32x64xf32, #tpu.memory_space<vmem>>, vector<32x64xf32>
    %dot_general3A = arith.constant dense<0.000000e+00> : vector<2000x64xf32>
    %dot_general3A_5 = tpu.matmul %get3A_1, %get3A_4, %dot_general3A {dimension_numbers = #tpu.dot_dimension_numbers<[1], [0], [0], [1], [0, 0, 1, 1], [], []>, transpose_lhs_hint = false} : vector<2000x32xf32>, vector<32x64xf32>, vector<2000x64xf32> -> vector<2000x64xf32>
    %get3A_6 = arith.constant 0 : index
    %get3A_7 = arith.constant 0 : index
    %get3A_8 = vector.load %arg3[%get3A_6, %get3A_7] : memref<1x64xf32, #tpu.memory_space<vmem>>, vector<1x64xf32>
    %add3A = vector.broadcast %get3A_8 : vector<1x64xf32> to vector<2000x64xf32>
    %add3A_9 = arith.addf %dot_general3A_5, %add3A : vector<2000x64xf32>
    %max3A = arith.constant 0.000000e+00 : f32
    %max3A_10 = vector.broadcast %max3A : f32 to vector<2000x64xf32>
    %max3A_11 = arith.maximumf %add3A_9, %max3A_10 : vector<2000x64xf32>
    %get3A_12 = arith.constant 0 : index
    %get3A_13 = arith.constant 0 : index
    %get3A_14 = vector.load %arg4[%get3A_12, %get3A_13] : memref<64x64xf32, #tpu.memory_space<vmem>>, vector<64x64xf32>
    %dot_general3A_15 = arith.constant dense<0.000000e+00> : vector<2000x64xf32>
    %dot_general3A_16 = tpu.matmul %max3A_11, %get3A_14, %dot_general3A_15 {dimension_numbers = #tpu.dot_dimension_numbers<[1], [0], [0], [1], [0, 0, 1, 1], [], []>, transpose_lhs_hint = false} : vector<2000x64xf32>, vector<64x64xf32>, vector<2000x64xf32> -> vector<2000x64xf32>
    %get3A_17 = arith.constant 0 : index
    %get3A_18 = arith.constant 0 : index
    %get3A_19 = vector.load %arg5[%get3A_17, %get3A_18] : memref<1x64xf32, #tpu.memory_space<vmem>>, vector<1x64xf32>
    %add3A_20 = vector.broadcast %get3A_19 : vector<1x64xf32> to vector<2000x64xf32>
    %add3A_21 = arith.addf %dot_general3A_16, %add3A_20 : vector<2000x64xf32>
    %max3A_22 = arith.constant 0.000000e+00 : f32
    %max3A_23 = vector.broadcast %max3A_22 : f32 to vector<2000x64xf32>
    %max3A_24 = arith.maximumf %add3A_21, %max3A_23 : vector<2000x64xf32>
    %get3A_25 = arith.constant 0 : index
    %get3A_26 = arith.constant 0 : index
    %get3A_27 = vector.load %arg6[%get3A_25, %get3A_26] : memref<64x64xf32, #tpu.memory_space<vmem>>, vector<64x64xf32>
    %dot_general3A_28 = arith.constant dense<0.000000e+00> : vector<2000x64xf32>
    %dot_general3A_29 = tpu.matmul %max3A_24, %get3A_27, %dot_general3A_28 {dimension_numbers = #tpu.dot_dimension_numbers<[1], [0], [0], [1], [0, 0, 1, 1], [], []>, transpose_lhs_hint = false} : vector<2000x64xf32>, vector<64x64xf32>, vector<2000x64xf32> -> vector<2000x64xf32>
    %get3A_30 = arith.constant 0 : index
    %get3A_31 = arith.constant 0 : index
    %get3A_32 = vector.load %arg7[%get3A_30, %get3A_31] : memref<1x64xf32, #tpu.memory_space<vmem>>, vector<1x64xf32>
    %add3A_33 = vector.broadcast %get3A_32 : vector<1x64xf32> to vector<2000x64xf32>
    %add3A_34 = arith.addf %dot_general3A_29, %add3A_33 : vector<2000x64xf32>
    %get3A_35 = arith.constant 0 : index
    %get3A_36 = arith.constant 0 : index
    %get3A_37 = vector.load %arg8[%get3A_35, %get3A_36] : memref<1x64xf32, #tpu.memory_space<vmem>>, vector<1x64xf32>
    %get3A_38 = arith.constant 0 : index
    %get3A_39 = arith.constant 0 : index
    %get3A_40 = vector.load %arg9[%get3A_38, %get3A_39] : memref<1x64xf32, #tpu.memory_space<vmem>>, vector<1x64xf32>
    %reduce_sum3A = arith.constant dense<0.000000e+00> : vector<2000xf32>
    %reduce_sum3A_41 = vector.multi_reduction <add>, %add3A_34, %reduce_sum3A [1] : vector<2000x64xf32> to vector<2000xf32>
    %broadcast_in_dim3A = vector.shape_cast %reduce_sum3A_41 : vector<2000xf32> to vector<2000x1xf32>
    %div3A = arith.constant 6.400000e+01 : f32
    %div3A_42 = vector.broadcast %div3A : f32 to vector<2000x1xf32>
    %div3A_43 = arith.divf %broadcast_in_dim3A, %div3A_42 : vector<2000x1xf32>
    %sub3A = vector.broadcast %div3A_43 : vector<2000x1xf32> to vector<2000x64xf32>
    %sub3A_44 = arith.subf %add3A_34, %sub3A : vector<2000x64xf32>
    %mul3A = arith.mulf %sub3A_44, %sub3A_44 : vector<2000x64xf32>
    %reduce_sum3A_45 = arith.constant dense<0.000000e+00> : vector<2000xf32>
    %reduce_sum3A_46 = vector.multi_reduction <add>, %mul3A, %reduce_sum3A_45 [1] : vector<2000x64xf32> to vector<2000xf32>
    %broadcast_in_dim3A_47 = vector.shape_cast %reduce_sum3A_46 : vector<2000xf32> to vector<2000x1xf32>
    %div3A_48 = arith.constant 6.400000e+01 : f32
    %div3A_49 = vector.broadcast %div3A_48 : f32 to vector<2000x1xf32>
    %div3A_50 = arith.divf %broadcast_in_dim3A_47, %div3A_49 : vector<2000x1xf32>
    %add3A_51 = arith.constant 9.99999974E-6 : f32
    %add3A_52 = vector.broadcast %add3A_51 : f32 to vector<2000x1xf32>
    %add3A_53 = arith.addf %div3A_50, %add3A_52 : vector<2000x1xf32>
    %rsqrt3A = math.rsqrt %add3A_53 : vector<2000x1xf32>
    %mul3A_54 = vector.broadcast %rsqrt3A : vector<2000x1xf32> to vector<2000x64xf32>
    %mul3A_55 = arith.mulf %sub3A_44, %mul3A_54 : vector<2000x64xf32>
    %mul3A_56 = vector.broadcast %get3A_37 : vector<1x64xf32> to vector<2000x64xf32>
    %mul3A_57 = arith.mulf %mul3A_55, %mul3A_56 : vector<2000x64xf32>
    %add3A_58 = vector.broadcast %get3A_40 : vector<1x64xf32> to vector<2000x64xf32>
    %add3A_59 = arith.addf %mul3A_57, %add3A_58 : vector<2000x64xf32>
    %swap3A = arith.constant 0 : index
    %swap3A_60 = arith.constant 0 : index
    %swap3A_61 = vector.load %arg10[%swap3A, %swap3A_60] : memref<2000x64xf32, #tpu.memory_space<vmem>>, vector<2000x64xf32>
    tpu.vector_store %arg10[%swap3A, %swap3A_60], %add3A_59 {strides = array<i32>} : memref<2000x64xf32, #tpu.memory_space<vmem>>, vector<2000x64xf32>,
    return
  }
  func.func @transform_0(%arg0: i32) -> (i32, i32) {
    %c0_i32 = arith.constant 0 : i32
    %c0_i32_0 = arith.constant 0 : i32
    return %arg0, %c0_i32 : i32, i32
  }
  func.func @transform_1(%arg0: i32) -> (i32, i32) {
    %c0_i32 = arith.constant 0 : i32
    %c0_i32_0 = arith.constant 0 : i32
    %c0_i32_1 = arith.constant 0 : i32
    return %c0_i32, %c0_i32_0 : i32, i32
  }
  func.func @transform_2(%arg0: i32) -> (i32, i32) {
    %c0_i32 = arith.constant 0 : i32
    %c0_i32_0 = arith.constant 0 : i32
    %c0_i32_1 = arith.constant 0 : i32
    return %c0_i32, %c0_i32_0 : i32, i32
  }
  func.func @transform_3(%arg0: i32) -> (i32, i32) {
    %c0_i32 = arith.constant 0 : i32
    %c0_i32_0 = arith.constant 0 : i32
    %c0_i32_1 = arith.constant 0 : i32
    return %c0_i32, %c0_i32_0 : i32, i32
  }
  func.func @transform_4(%arg0: i32) -> (i32, i32) {
    %c0_i32 = arith.constant 0 : i32
    %c0_i32_0 = arith.constant 0 : i32
    %c0_i32_1 = arith.constant 0 : i32
    return %c0_i32, %c0_i32_0 : i32, i32
  }
  func.func @transform_5(%arg0: i32) -> (i32, i32) {
    %c0_i32 = arith.constant 0 : i32
    %c0_i32_0 = arith.constant 0 : i32
    %c0_i32_1 = arith.constant 0 : i32
    return %c0_i32, %c0_i32_0 : i32, i32
  }
  func.func @transform_6(%arg0: i32) -> (i32, i32) {
    %c0_i32 = arith.constant 0 : i32
    %c0_i32_0 = arith.constant 0 : i32
    %c0_i32_1 = arith.constant 0 : i32
    return %c0_i32, %c0_i32_0 : i32, i32
  }
  func.func @transform_7(%arg0: i32) -> (i32, i32) {
    %c0_i32 = arith.constant 0 : i32
    %c0_i32_0 = arith.constant 0 : i32
    %c0_i32_1 = arith.constant 0 : i32
    return %c0_i32, %c0_i32_0 : i32, i32
  }
  func.func @transform_8(%arg0: i32) -> (i32, i32) {
    %c0_i32 = arith.constant 0 : i32
    %c0_i32_0 = arith.constant 0 : i32
    %c0_i32_1 = arith.constant 0 : i32
    return %c0_i32, %c0_i32_0 : i32, i32
  }
  func.func @transform_9(%arg0: i32) -> (i32, i32) {
    %c0_i32 = arith.constant 0 : i32
    %c0_i32_0 = arith.constant 0 : i32
    return %arg0, %c0_i32 : i32, i32
  }
}

module attributes {stable_mosaic.version = 14 : i64} {
  func.func @_enc_body(%arg0: i32, %arg1: memref<4096x8xf32, #tpu.memory_space<vmem>>, %arg2: memref<8x64xf32, #tpu.memory_space<vmem>>, %arg3: memref<1x64xf32, #tpu.memory_space<vmem>>, %arg4: memref<64x64xf32, #tpu.memory_space<vmem>>, %arg5: memref<1x64xf32, #tpu.memory_space<vmem>>, %arg6: memref<64x64xf32, #tpu.memory_space<vmem>>, %arg7: memref<1x64xf32, #tpu.memory_space<vmem>>, %arg8: memref<1x64xf32, #tpu.memory_space<vmem>>, %arg9: memref<1x64xf32, #tpu.memory_space<vmem>>, %arg10: memref<4096x64xf32, #tpu.memory_space<vmem>>) attributes {dimension_semantics = [#tpu.dimension_semantics<arbitrary>], iteration_bounds = array<i64: 200>, scalar_prefetch = 0 : i64, scratch_operands = 0 : i64, tpu.core_type = #tpu.core_type<tc>, window_params = [{transform_indices = @transform_0, window_bounds = array<i64: 4096, 8>}, {pipeline_mode = #tpu.pipeline_mode<synchronous>, transform_indices = @transform_1, window_bounds = array<i64: 8, 64>}, {pipeline_mode = #tpu.pipeline_mode<synchronous>, transform_indices = @transform_2, window_bounds = array<i64: 1, 64>}, {pipeline_mode = #tpu.pipeline_mode<synchronous>, transform_indices = @transform_3, window_bounds = array<i64: 64, 64>}, {pipeline_mode = #tpu.pipeline_mode<synchronous>, transform_indices = @transform_4, window_bounds = array<i64: 1, 64>}, {pipeline_mode = #tpu.pipeline_mode<synchronous>, transform_indices = @transform_5, window_bounds = array<i64: 64, 64>}, {pipeline_mode = #tpu.pipeline_mode<synchronous>, transform_indices = @transform_6, window_bounds = array<i64: 1, 64>}, {pipeline_mode = #tpu.pipeline_mode<synchronous>, transform_indices = @transform_7, window_bounds = array<i64: 1, 64>}, {pipeline_mode = #tpu.pipeline_mode<synchronous>, transform_indices = @transform_8, window_bounds = array<i64: 1, 64>}, {transform_indices = @transform_9, window_bounds = array<i64: 4096, 64>}]} {
    %get3A = arith.constant 0 : index
    %get3A_0 = arith.constant 0 : index
    %get3A_1 = vector.load %arg1[%get3A, %get3A_0] : memref<4096x8xf32, #tpu.memory_space<vmem>>, vector<4096x8xf32>
    %get3A_2 = arith.constant 0 : index
    %get3A_3 = arith.constant 0 : index
    %get3A_4 = vector.load %arg2[%get3A_2, %get3A_3] : memref<8x64xf32, #tpu.memory_space<vmem>>, vector<8x64xf32>
    %dot_general3A = arith.constant dense<0.000000e+00> : vector<4096x64xf32>
    %dot_general3A_5 = tpu.matmul %get3A_1, %get3A_4, %dot_general3A {dimension_numbers = #tpu.dot_dimension_numbers<[1], [0], [0], [1], [0, 0, 1, 1], [], []>, transpose_lhs_hint = false} : vector<4096x8xf32>, vector<8x64xf32>, vector<4096x64xf32> -> vector<4096x64xf32>
    %get3A_6 = arith.constant 0 : index
    %get3A_7 = arith.constant 0 : index
    %get3A_8 = vector.load %arg3[%get3A_6, %get3A_7] : memref<1x64xf32, #tpu.memory_space<vmem>>, vector<1x64xf32>
    %add3A = vector.broadcast %get3A_8 : vector<1x64xf32> to vector<4096x64xf32>
    %add3A_9 = arith.addf %dot_general3A_5, %add3A : vector<4096x64xf32>
    %max3A = arith.constant 0.000000e+00 : f32
    %max3A_10 = vector.broadcast %max3A : f32 to vector<4096x64xf32>
    %max3A_11 = arith.maximumf %add3A_9, %max3A_10 : vector<4096x64xf32>
    %get3A_12 = arith.constant 0 : index
    %get3A_13 = arith.constant 0 : index
    %get3A_14 = vector.load %arg4[%get3A_12, %get3A_13] : memref<64x64xf32, #tpu.memory_space<vmem>>, vector<64x64xf32>
    %dot_general3A_15 = arith.constant dense<0.000000e+00> : vector<4096x64xf32>
    %dot_general3A_16 = tpu.matmul %max3A_11, %get3A_14, %dot_general3A_15 {dimension_numbers = #tpu.dot_dimension_numbers<[1], [0], [0], [1], [0, 0, 1, 1], [], []>, transpose_lhs_hint = false} : vector<4096x64xf32>, vector<64x64xf32>, vector<4096x64xf32> -> vector<4096x64xf32>
    %get3A_17 = arith.constant 0 : index
    %get3A_18 = arith.constant 0 : index
    %get3A_19 = vector.load %arg5[%get3A_17, %get3A_18] : memref<1x64xf32, #tpu.memory_space<vmem>>, vector<1x64xf32>
    %add3A_20 = vector.broadcast %get3A_19 : vector<1x64xf32> to vector<4096x64xf32>
    %add3A_21 = arith.addf %dot_general3A_16, %add3A_20 : vector<4096x64xf32>
    %max3A_22 = arith.constant 0.000000e+00 : f32
    %max3A_23 = vector.broadcast %max3A_22 : f32 to vector<4096x64xf32>
    %max3A_24 = arith.maximumf %add3A_21, %max3A_23 : vector<4096x64xf32>
    %get3A_25 = arith.constant 0 : index
    %get3A_26 = arith.constant 0 : index
    %get3A_27 = vector.load %arg6[%get3A_25, %get3A_26] : memref<64x64xf32, #tpu.memory_space<vmem>>, vector<64x64xf32>
    %dot_general3A_28 = arith.constant dense<0.000000e+00> : vector<4096x64xf32>
    %dot_general3A_29 = tpu.matmul %max3A_24, %get3A_27, %dot_general3A_28 {dimension_numbers = #tpu.dot_dimension_numbers<[1], [0], [0], [1], [0, 0, 1, 1], [], []>, transpose_lhs_hint = false} : vector<4096x64xf32>, vector<64x64xf32>, vector<4096x64xf32> -> vector<4096x64xf32>
    %get3A_30 = arith.constant 0 : index
    %get3A_31 = arith.constant 0 : index
    %get3A_32 = vector.load %arg7[%get3A_30, %get3A_31] : memref<1x64xf32, #tpu.memory_space<vmem>>, vector<1x64xf32>
    %add3A_33 = vector.broadcast %get3A_32 : vector<1x64xf32> to vector<4096x64xf32>
    %add3A_34 = arith.addf %dot_general3A_29, %add3A_33 : vector<4096x64xf32>
    %get3A_35 = arith.constant 0 : index
    %get3A_36 = arith.constant 0 : index
    %get3A_37 = vector.load %arg8[%get3A_35, %get3A_36] : memref<1x64xf32, #tpu.memory_space<vmem>>, vector<1x64xf32>
    %get3A_38 = arith.constant 0 : index
    %get3A_39 = arith.constant 0 : index
    %get3A_40 = vector.load %arg9[%get3A_38, %get3A_39] : memref<1x64xf32, #tpu.memory_space<vmem>>, vector<1x64xf32>
    %reduce_sum3A = arith.constant dense<0.000000e+00> : vector<4096xf32>
    %reduce_sum3A_41 = vector.multi_reduction <add>, %add3A_34, %reduce_sum3A [1] : vector<4096x64xf32> to vector<4096xf32>
    %broadcast_in_dim3A = vector.shape_cast %reduce_sum3A_41 : vector<4096xf32> to vector<4096x1xf32>
    %div3A = arith.constant 6.400000e+01 : f32
    %div3A_42 = vector.broadcast %div3A : f32 to vector<4096x1xf32>
    %div3A_43 = arith.divf %broadcast_in_dim3A, %div3A_42 : vector<4096x1xf32>
    %sub3A = vector.broadcast %div3A_43 : vector<4096x1xf32> to vector<4096x64xf32>
    %sub3A_44 = arith.subf %add3A_34, %sub3A : vector<4096x64xf32>
    %mul3A = arith.mulf %sub3A_44, %sub3A_44 : vector<4096x64xf32>
    %reduce_sum3A_45 = arith.constant dense<0.000000e+00> : vector<4096xf32>
    %reduce_sum3A_46 = vector.multi_reduction <add>, %mul3A, %reduce_sum3A_45 [1] : vector<4096x64xf32> to vector<4096xf32>
    %broadcast_in_dim3A_47 = vector.shape_cast %reduce_sum3A_46 : vector<4096xf32> to vector<4096x1xf32>
    %div3A_48 = arith.constant 6.400000e+01 : f32
    %div3A_49 = vector.broadcast %div3A_48 : f32 to vector<4096x1xf32>
    %div3A_50 = arith.divf %broadcast_in_dim3A_47, %div3A_49 : vector<4096x1xf32>
    %add3A_51 = arith.constant 9.99999974E-6 : f32
    %add3A_52 = vector.broadcast %add3A_51 : f32 to vector<4096x1xf32>
    %add3A_53 = arith.addf %div3A_50, %add3A_52 : vector<4096x1xf32>
    %rsqrt3A = math.rsqrt %add3A_53 : vector<4096x1xf32>
    %mul3A_54 = vector.broadcast %rsqrt3A : vector<4096x1xf32> to vector<4096x64xf32>
    %mul3A_55 = arith.mulf %sub3A_44, %mul3A_54 : vector<4096x64xf32>
    %mul3A_56 = vector.broadcast %get3A_37 : vector<1x64xf32> to vector<4096x64xf32>
    %mul3A_57 = arith.mulf %mul3A_55, %mul3A_56 : vector<4096x64xf32>
    %add3A_58 = vector.broadcast %get3A_40 : vector<1x64xf32> to vector<4096x64xf32>
    %add3A_59 = arith.addf %mul3A_57, %add3A_58 : vector<4096x64xf32>
    %swap3A = arith.constant 0 : index
    %swap3A_60 = arith.constant 0 : index
    %swap3A_61 = vector.load %arg10[%swap3A, %swap3A_60] : memref<4096x64xf32, #tpu.memory_space<vmem>>, vector<4096x64xf32>
    tpu.vector_store %arg10[%swap3A, %swap3A_60], %add3A_59 {strides = array<i32>} : memref<4096x64xf32, #tpu.memory_space<vmem>>, vector<4096x64xf32>,
    return
  }
  func.func @transform_0(%arg0: i32) -> (i32, i32) {
    %c0_i32 = arith.constant 0 : i32
    %c0_i32_0 = arith.constant 0 : i32
    return %arg0, %c0_i32 : i32, i32
  }
  func.func @transform_1(%arg0: i32) -> (i32, i32) {
    %c0_i32 = arith.constant 0 : i32
    %c0_i32_0 = arith.constant 0 : i32
    %c0_i32_1 = arith.constant 0 : i32
    return %c0_i32, %c0_i32_0 : i32, i32
  }
  func.func @transform_2(%arg0: i32) -> (i32, i32) {
    %c0_i32 = arith.constant 0 : i32
    %c0_i32_0 = arith.constant 0 : i32
    %c0_i32_1 = arith.constant 0 : i32
    return %c0_i32, %c0_i32_0 : i32, i32
  }
  func.func @transform_3(%arg0: i32) -> (i32, i32) {
    %c0_i32 = arith.constant 0 : i32
    %c0_i32_0 = arith.constant 0 : i32
    %c0_i32_1 = arith.constant 0 : i32
    return %c0_i32, %c0_i32_0 : i32, i32
  }
  func.func @transform_4(%arg0: i32) -> (i32, i32) {
    %c0_i32 = arith.constant 0 : i32
    %c0_i32_0 = arith.constant 0 : i32
    %c0_i32_1 = arith.constant 0 : i32
    return %c0_i32, %c0_i32_0 : i32, i32
  }
  func.func @transform_5(%arg0: i32) -> (i32, i32) {
    %c0_i32 = arith.constant 0 : i32
    %c0_i32_0 = arith.constant 0 : i32
    %c0_i32_1 = arith.constant 0 : i32
    return %c0_i32, %c0_i32_0 : i32, i32
  }
  func.func @transform_6(%arg0: i32) -> (i32, i32) {
    %c0_i32 = arith.constant 0 : i32
    %c0_i32_0 = arith.constant 0 : i32
    %c0_i32_1 = arith.constant 0 : i32
    return %c0_i32, %c0_i32_0 : i32, i32
  }
  func.func @transform_7(%arg0: i32) -> (i32, i32) {
    %c0_i32 = arith.constant 0 : i32
    %c0_i32_0 = arith.constant 0 : i32
    %c0_i32_1 = arith.constant 0 : i32
    return %c0_i32, %c0_i32_0 : i32, i32
  }
  func.func @transform_8(%arg0: i32) -> (i32, i32) {
    %c0_i32 = arith.constant 0 : i32
    %c0_i32_0 = arith.constant 0 : i32
    %c0_i32_1 = arith.constant 0 : i32
    return %c0_i32, %c0_i32_0 : i32, i32
  }
  func.func @transform_9(%arg0: i32) -> (i32, i32) {
    %c0_i32 = arith.constant 0 : i32
    %c0_i32_0 = arith.constant 0 : i32
    return %arg0, %c0_i32 : i32, i32
  }
}

module attributes {stable_mosaic.version = 14 : i64} {
  func.func @_edge_body(%arg0: i32, %arg1: memref<4096x64xf32, #tpu.memory_space<vmem>>, %arg2: memref<4096x64xf32, #tpu.memory_space<vmem>>, %arg3: memref<4096x64xf32, #tpu.memory_space<vmem>>, %arg4: memref<64x64xf32, #tpu.memory_space<vmem>>, %arg5: memref<64x64xf32, #tpu.memory_space<vmem>>, %arg6: memref<64x64xf32, #tpu.memory_space<vmem>>, %arg7: memref<1x64xf32, #tpu.memory_space<vmem>>, %arg8: memref<64x64xf32, #tpu.memory_space<vmem>>, %arg9: memref<1x64xf32, #tpu.memory_space<vmem>>, %arg10: memref<64x64xf32, #tpu.memory_space<vmem>>, %arg11: memref<1x64xf32, #tpu.memory_space<vmem>>, %arg12: memref<1x64xf32, #tpu.memory_space<vmem>>, %arg13: memref<1x64xf32, #tpu.memory_space<vmem>>, %arg14: memref<4096x64xf32, #tpu.memory_space<vmem>>, %arg15: memref<4096x64xf32, #tpu.memory_space<vmem>>) attributes {dimension_semantics = [#tpu.dimension_semantics<arbitrary>], iteration_bounds = array<i64: 200>, scalar_prefetch = 0 : i64, scratch_operands = 0 : i64, tpu.core_type = #tpu.core_type<tc>, window_params = [{transform_indices = @transform_0, window_bounds = array<i64: 4096, 64>}, {transform_indices = @transform_1, window_bounds = array<i64: 4096, 64>}, {transform_indices = @transform_2, window_bounds = array<i64: 4096, 64>}, {pipeline_mode = #tpu.pipeline_mode<synchronous>, transform_indices = @transform_3, window_bounds = array<i64: 64, 64>}, {pipeline_mode = #tpu.pipeline_mode<synchronous>, transform_indices = @transform_4, window_bounds = array<i64: 64, 64>}, {pipeline_mode = #tpu.pipeline_mode<synchronous>, transform_indices = @transform_5, window_bounds = array<i64: 64, 64>}, {pipeline_mode = #tpu.pipeline_mode<synchronous>, transform_indices = @transform_6, window_bounds = array<i64: 1, 64>}, {pipeline_mode = #tpu.pipeline_mode<synchronous>, transform_indices = @transform_7, window_bounds = array<i64: 64, 64>}, {pipeline_mode = #tpu.pipeline_mode<synchronous>, transform_indices = @transform_8, window_bounds = array<i64: 1, 64>}, {pipeline_mode = #tpu.pipeline_mode<synchronous>, transform_indices = @transform_9, window_bounds = array<i64: 64, 64>}, {pipeline_mode = #tpu.pipeline_mode<synchronous>, transform_indices = @transform_10, window_bounds = array<i64: 1, 64>}, {pipeline_mode = #tpu.pipeline_mode<synchronous>, transform_indices = @transform_11, window_bounds = array<i64: 1, 64>}, {pipeline_mode = #tpu.pipeline_mode<synchronous>, transform_indices = @transform_12, window_bounds = array<i64: 1, 64>}, {transform_indices = @transform_13, window_bounds = array<i64: 4096, 64>}, {transform_indices = @transform_14, window_bounds = array<i64: 4096, 64>}]} {
    %get3A = arith.constant 0 : index
    %get3A_0 = arith.constant 0 : index
    %get3A_1 = vector.load %arg3[%get3A, %get3A_0] : memref<4096x64xf32, #tpu.memory_space<vmem>>, vector<4096x64xf32>
    %get3A_2 = arith.constant 0 : index
    %get3A_3 = arith.constant 0 : index
    %get3A_4 = vector.load %arg1[%get3A_2, %get3A_3] : memref<4096x64xf32, #tpu.memory_space<vmem>>, vector<4096x64xf32>
    %get3A_5 = arith.constant 0 : index
    %get3A_6 = arith.constant 0 : index
    %get3A_7 = vector.load %arg4[%get3A_5, %get3A_6] : memref<64x64xf32, #tpu.memory_space<vmem>>, vector<64x64xf32>
    %dot_general3A = arith.constant dense<0.000000e+00> : vector<4096x64xf32>
    %dot_general3A_8 = tpu.matmul %get3A_4, %get3A_7, %dot_general3A {dimension_numbers = #tpu.dot_dimension_numbers<[1], [0], [0], [1], [0, 0, 1, 1], [], []>, transpose_lhs_hint = false} : vector<4096x64xf32>, vector<64x64xf32>, vector<4096x64xf32> -> vector<4096x64xf32>
    %get3A_9 = arith.constant 0 : index
    %get3A_10 = arith.constant 0 : index
    %get3A_11 = vector.load %arg2[%get3A_9, %get3A_10] : memref<4096x64xf32, #tpu.memory_space<vmem>>, vector<4096x64xf32>
    %get3A_12 = arith.constant 0 : index
    %get3A_13 = arith.constant 0 : index
    %get3A_14 = vector.load %arg5[%get3A_12, %get3A_13] : memref<64x64xf32, #tpu.memory_space<vmem>>, vector<64x64xf32>
    %dot_general3A_15 = arith.constant dense<0.000000e+00> : vector<4096x64xf32>
    %dot_general3A_16 = tpu.matmul %get3A_11, %get3A_14, %dot_general3A_15 {dimension_numbers = #tpu.dot_dimension_numbers<[1], [0], [0], [1], [0, 0, 1, 1], [], []>, transpose_lhs_hint = false} : vector<4096x64xf32>, vector<64x64xf32>, vector<4096x64xf32> -> vector<4096x64xf32>
    %add3A = arith.addf %dot_general3A_8, %dot_general3A_16 : vector<4096x64xf32>
    %get3A_17 = arith.constant 0 : index
    %get3A_18 = arith.constant 0 : index
    %get3A_19 = vector.load %arg6[%get3A_17, %get3A_18] : memref<64x64xf32, #tpu.memory_space<vmem>>, vector<64x64xf32>
    %dot_general3A_20 = arith.constant dense<0.000000e+00> : vector<4096x64xf32>
    %dot_general3A_21 = tpu.matmul %get3A_1, %get3A_19, %dot_general3A_20 {dimension_numbers = #tpu.dot_dimension_numbers<[1], [0], [0], [1], [0, 0, 1, 1], [], []>, transpose_lhs_hint = false} : vector<4096x64xf32>, vector<64x64xf32>, vector<4096x64xf32> -> vector<4096x64xf32>
    %add3A_22 = arith.addf %add3A, %dot_general3A_21 : vector<4096x64xf32>
    %get3A_23 = arith.constant 0 : index
    %get3A_24 = arith.constant 0 : index
    %get3A_25 = vector.load %arg7[%get3A_23, %get3A_24] : memref<1x64xf32, #tpu.memory_space<vmem>>, vector<1x64xf32>
    %add3A_26 = vector.broadcast %get3A_25 : vector<1x64xf32> to vector<4096x64xf32>
    %add3A_27 = arith.addf %add3A_22, %add3A_26 : vector<4096x64xf32>
    %max3A = arith.constant 0.000000e+00 : f32
    %max3A_28 = vector.broadcast %max3A : f32 to vector<4096x64xf32>
    %max3A_29 = arith.maximumf %add3A_27, %max3A_28 : vector<4096x64xf32>
    %get3A_30 = arith.constant 0 : index
    %get3A_31 = arith.constant 0 : index
    %get3A_32 = vector.load %arg8[%get3A_30, %get3A_31] : memref<64x64xf32, #tpu.memory_space<vmem>>, vector<64x64xf32>
    %dot_general3A_33 = arith.constant dense<0.000000e+00> : vector<4096x64xf32>
    %dot_general3A_34 = tpu.matmul %max3A_29, %get3A_32, %dot_general3A_33 {dimension_numbers = #tpu.dot_dimension_numbers<[1], [0], [0], [1], [0, 0, 1, 1], [], []>, transpose_lhs_hint = false} : vector<4096x64xf32>, vector<64x64xf32>, vector<4096x64xf32> -> vector<4096x64xf32>
    %get3A_35 = arith.constant 0 : index
    %get3A_36 = arith.constant 0 : index
    %get3A_37 = vector.load %arg9[%get3A_35, %get3A_36] : memref<1x64xf32, #tpu.memory_space<vmem>>, vector<1x64xf32>
    %add3A_38 = vector.broadcast %get3A_37 : vector<1x64xf32> to vector<4096x64xf32>
    %add3A_39 = arith.addf %dot_general3A_34, %add3A_38 : vector<4096x64xf32>
    %max3A_40 = arith.constant 0.000000e+00 : f32
    %max3A_41 = vector.broadcast %max3A_40 : f32 to vector<4096x64xf32>
    %max3A_42 = arith.maximumf %add3A_39, %max3A_41 : vector<4096x64xf32>
    %get3A_43 = arith.constant 0 : index
    %get3A_44 = arith.constant 0 : index
    %get3A_45 = vector.load %arg10[%get3A_43, %get3A_44] : memref<64x64xf32, #tpu.memory_space<vmem>>, vector<64x64xf32>
    %dot_general3A_46 = arith.constant dense<0.000000e+00> : vector<4096x64xf32>
    %dot_general3A_47 = tpu.matmul %max3A_42, %get3A_45, %dot_general3A_46 {dimension_numbers = #tpu.dot_dimension_numbers<[1], [0], [0], [1], [0, 0, 1, 1], [], []>, transpose_lhs_hint = false} : vector<4096x64xf32>, vector<64x64xf32>, vector<4096x64xf32> -> vector<4096x64xf32>
    %get3A_48 = arith.constant 0 : index
    %get3A_49 = arith.constant 0 : index
    %get3A_50 = vector.load %arg11[%get3A_48, %get3A_49] : memref<1x64xf32, #tpu.memory_space<vmem>>, vector<1x64xf32>
    %add3A_51 = vector.broadcast %get3A_50 : vector<1x64xf32> to vector<4096x64xf32>
    %add3A_52 = arith.addf %dot_general3A_47, %add3A_51 : vector<4096x64xf32>
    %get3A_53 = arith.constant 0 : index
    %get3A_54 = arith.constant 0 : index
    %get3A_55 = vector.load %arg12[%get3A_53, %get3A_54] : memref<1x64xf32, #tpu.memory_space<vmem>>, vector<1x64xf32>
    %get3A_56 = arith.constant 0 : index
    %get3A_57 = arith.constant 0 : index
    %get3A_58 = vector.load %arg13[%get3A_56, %get3A_57] : memref<1x64xf32, #tpu.memory_space<vmem>>, vector<1x64xf32>
    %reduce_sum3A = arith.constant dense<0.000000e+00> : vector<4096xf32>
    %reduce_sum3A_59 = vector.multi_reduction <add>, %add3A_52, %reduce_sum3A [1] : vector<4096x64xf32> to vector<4096xf32>
    %broadcast_in_dim3A = vector.shape_cast %reduce_sum3A_59 : vector<4096xf32> to vector<4096x1xf32>
    %div3A = arith.constant 6.400000e+01 : f32
    %div3A_60 = vector.broadcast %div3A : f32 to vector<4096x1xf32>
    %div3A_61 = arith.divf %broadcast_in_dim3A, %div3A_60 : vector<4096x1xf32>
    %sub3A = vector.broadcast %div3A_61 : vector<4096x1xf32> to vector<4096x64xf32>
    %sub3A_62 = arith.subf %add3A_52, %sub3A : vector<4096x64xf32>
    %mul3A = arith.mulf %sub3A_62, %sub3A_62 : vector<4096x64xf32>
    %reduce_sum3A_63 = arith.constant dense<0.000000e+00> : vector<4096xf32>
    %reduce_sum3A_64 = vector.multi_reduction <add>, %mul3A, %reduce_sum3A_63 [1] : vector<4096x64xf32> to vector<4096xf32>
    %broadcast_in_dim3A_65 = vector.shape_cast %reduce_sum3A_64 : vector<4096xf32> to vector<4096x1xf32>
    %div3A_66 = arith.constant 6.400000e+01 : f32
    %div3A_67 = vector.broadcast %div3A_66 : f32 to vector<4096x1xf32>
    %div3A_68 = arith.divf %broadcast_in_dim3A_65, %div3A_67 : vector<4096x1xf32>
    %add3A_69 = arith.constant 9.99999974E-6 : f32
    %add3A_70 = vector.broadcast %add3A_69 : f32 to vector<4096x1xf32>
    %add3A_71 = arith.addf %div3A_68, %add3A_70 : vector<4096x1xf32>
    %rsqrt3A = math.rsqrt %add3A_71 : vector<4096x1xf32>
    %mul3A_72 = vector.broadcast %rsqrt3A : vector<4096x1xf32> to vector<4096x64xf32>
    %mul3A_73 = arith.mulf %sub3A_62, %mul3A_72 : vector<4096x64xf32>
    %mul3A_74 = vector.broadcast %get3A_55 : vector<1x64xf32> to vector<4096x64xf32>
    %mul3A_75 = arith.mulf %mul3A_73, %mul3A_74 : vector<4096x64xf32>
    %add3A_76 = vector.broadcast %get3A_58 : vector<1x64xf32> to vector<4096x64xf32>
    %add3A_77 = arith.addf %mul3A_75, %add3A_76 : vector<4096x64xf32>
    %swap3A = arith.constant 0 : index
    %swap3A_78 = arith.constant 0 : index
    %swap3A_79 = vector.load %arg14[%swap3A, %swap3A_78] : memref<4096x64xf32, #tpu.memory_space<vmem>>, vector<4096x64xf32>
    tpu.vector_store %arg14[%swap3A, %swap3A_78], %add3A_77 {strides = array<i32>} : memref<4096x64xf32, #tpu.memory_space<vmem>>, vector<4096x64xf32>,
    %add3A_80 = arith.addf %get3A_1, %add3A_77 : vector<4096x64xf32>
    %swap3A_81 = arith.constant 0 : index
    %swap3A_82 = arith.constant 0 : index
    %swap3A_83 = vector.load %arg15[%swap3A_81, %swap3A_82] : memref<4096x64xf32, #tpu.memory_space<vmem>>, vector<4096x64xf32>
    tpu.vector_store %arg15[%swap3A_81, %swap3A_82], %add3A_80 {strides = array<i32>} : memref<4096x64xf32, #tpu.memory_space<vmem>>, vector<4096x64xf32>,
    return
  }
  func.func @transform_0(%arg0: i32) -> (i32, i32) {
    %c0_i32 = arith.constant 0 : i32
    %c0_i32_0 = arith.constant 0 : i32
    return %arg0, %c0_i32 : i32, i32
  }
  func.func @transform_1(%arg0: i32) -> (i32, i32) {
    %c0_i32 = arith.constant 0 : i32
    %c0_i32_0 = arith.constant 0 : i32
    return %arg0, %c0_i32 : i32, i32
  }
  func.func @transform_2(%arg0: i32) -> (i32, i32) {
    %c0_i32 = arith.constant 0 : i32
    %c0_i32_0 = arith.constant 0 : i32
    return %arg0, %c0_i32 : i32, i32
  }
  func.func @transform_3(%arg0: i32) -> (i32, i32) {
    %c0_i32 = arith.constant 0 : i32
    %c0_i32_0 = arith.constant 0 : i32
    %c0_i32_1 = arith.constant 0 : i32
    return %c0_i32, %c0_i32_0 : i32, i32
  }
  func.func @transform_4(%arg0: i32) -> (i32, i32) {
    %c0_i32 = arith.constant 0 : i32
    %c0_i32_0 = arith.constant 0 : i32
    %c0_i32_1 = arith.constant 0 : i32
    return %c0_i32, %c0_i32_0 : i32, i32
  }
  func.func @transform_5(%arg0: i32) -> (i32, i32) {
    %c0_i32 = arith.constant 0 : i32
    %c0_i32_0 = arith.constant 0 : i32
    %c0_i32_1 = arith.constant 0 : i32
    return %c0_i32, %c0_i32_0 : i32, i32
  }
  func.func @transform_6(%arg0: i32) -> (i32, i32) {
    %c0_i32 = arith.constant 0 : i32
    %c0_i32_0 = arith.constant 0 : i32
    %c0_i32_1 = arith.constant 0 : i32
    return %c0_i32, %c0_i32_0 : i32, i32
  }
  func.func @transform_7(%arg0: i32) -> (i32, i32) {
    %c0_i32 = arith.constant 0 : i32
    %c0_i32_0 = arith.constant 0 : i32
    %c0_i32_1 = arith.constant 0 : i32
    return %c0_i32, %c0_i32_0 : i32, i32
  }
  func.func @transform_8(%arg0: i32) -> (i32, i32) {
    %c0_i32 = arith.constant 0 : i32
    %c0_i32_0 = arith.constant 0 : i32
    %c0_i32_1 = arith.constant 0 : i32
    return %c0_i32, %c0_i32_0 : i32, i32
  }
  func.func @transform_9(%arg0: i32) -> (i32, i32) {
    %c0_i32 = arith.constant 0 : i32
    %c0_i32_0 = arith.constant 0 : i32
    %c0_i32_1 = arith.constant 0 : i32
    return %c0_i32, %c0_i32_0 : i32, i32
  }
  func.func @transform_10(%arg0: i32) -> (i32, i32) {
    %c0_i32 = arith.constant 0 : i32
    %c0_i32_0 = arith.constant 0 : i32
    %c0_i32_1 = arith.constant 0 : i32
    return %c0_i32, %c0_i32_0 : i32, i32
  }
  func.func @transform_11(%arg0: i32) -> (i32, i32) {
    %c0_i32 = arith.constant 0 : i32
    %c0_i32_0 = arith.constant 0 : i32
    %c0_i32_1 = arith.constant 0 : i32
    return %c0_i32, %c0_i32_0 : i32, i32
  }
  func.func @transform_12(%arg0: i32) -> (i32, i32) {
    %c0_i32 = arith.constant 0 : i32
    %c0_i32_0 = arith.constant 0 : i32
    %c0_i32_1 = arith.constant 0 : i32
    return %c0_i32, %c0_i32_0 : i32, i32
  }
  func.func @transform_13(%arg0: i32) -> (i32, i32) {
    %c0_i32 = arith.constant 0 : i32
    %c0_i32_0 = arith.constant 0 : i32
    return %arg0, %c0_i32 : i32, i32
  }
  func.func @transform_14(%arg0: i32) -> (i32, i32) {
    %c0_i32 = arith.constant 0 : i32
    %c0_i32_0 = arith.constant 0 : i32
    return %arg0, %c0_i32 : i32, i32
  }
}

module attributes {stable_mosaic.version = 14 : i64} {
  func.func @_node_body(%arg0: i32, %arg1: memref<2000x64xf32, #tpu.memory_space<vmem>>, %arg2: memref<2000x64xf32, #tpu.memory_space<vmem>>, %arg3: memref<64x64xf32, #tpu.memory_space<vmem>>, %arg4: memref<64x64xf32, #tpu.memory_space<vmem>>, %arg5: memref<1x64xf32, #tpu.memory_space<vmem>>, %arg6: memref<64x64xf32, #tpu.memory_space<vmem>>, %arg7: memref<1x64xf32, #tpu.memory_space<vmem>>, %arg8: memref<64x64xf32, #tpu.memory_space<vmem>>, %arg9: memref<1x64xf32, #tpu.memory_space<vmem>>, %arg10: memref<1x64xf32, #tpu.memory_space<vmem>>, %arg11: memref<1x64xf32, #tpu.memory_space<vmem>>, %arg12: memref<2000x64xf32, #tpu.memory_space<vmem>>) attributes {dimension_semantics = [#tpu.dimension_semantics<arbitrary>], iteration_bounds = array<i64: 25>, scalar_prefetch = 0 : i64, scratch_operands = 0 : i64, tpu.core_type = #tpu.core_type<tc>, window_params = [{transform_indices = @transform_0, window_bounds = array<i64: 2000, 64>}, {transform_indices = @transform_1, window_bounds = array<i64: 2000, 64>}, {pipeline_mode = #tpu.pipeline_mode<synchronous>, transform_indices = @transform_2, window_bounds = array<i64: 64, 64>}, {pipeline_mode = #tpu.pipeline_mode<synchronous>, transform_indices = @transform_3, window_bounds = array<i64: 64, 64>}, {pipeline_mode = #tpu.pipeline_mode<synchronous>, transform_indices = @transform_4, window_bounds = array<i64: 1, 64>}, {pipeline_mode = #tpu.pipeline_mode<synchronous>, transform_indices = @transform_5, window_bounds = array<i64: 64, 64>}, {pipeline_mode = #tpu.pipeline_mode<synchronous>, transform_indices = @transform_6, window_bounds = array<i64: 1, 64>}, {pipeline_mode = #tpu.pipeline_mode<synchronous>, transform_indices = @transform_7, window_bounds = array<i64: 64, 64>}, {pipeline_mode = #tpu.pipeline_mode<synchronous>, transform_indices = @transform_8, window_bounds = array<i64: 1, 64>}, {pipeline_mode = #tpu.pipeline_mode<synchronous>, transform_indices = @transform_9, window_bounds = array<i64: 1, 64>}, {pipeline_mode = #tpu.pipeline_mode<synchronous>, transform_indices = @transform_10, window_bounds = array<i64: 1, 64>}, {transform_indices = @transform_11, window_bounds = array<i64: 2000, 64>}]} {
    %get3A = arith.constant 0 : index
    %get3A_0 = arith.constant 0 : index
    %get3A_1 = vector.load %arg1[%get3A, %get3A_0] : memref<2000x64xf32, #tpu.memory_space<vmem>>, vector<2000x64xf32>
    %get3A_2 = arith.constant 0 : index
    %get3A_3 = arith.constant 0 : index
    %get3A_4 = vector.load %arg3[%get3A_2, %get3A_3] : memref<64x64xf32, #tpu.memory_space<vmem>>, vector<64x64xf32>
    %dot_general3A = arith.constant dense<0.000000e+00> : vector<2000x64xf32>
    %dot_general3A_5 = tpu.matmul %get3A_1, %get3A_4, %dot_general3A {dimension_numbers = #tpu.dot_dimension_numbers<[1], [0], [0], [1], [0, 0, 1, 1], [], []>, transpose_lhs_hint = false} : vector<2000x64xf32>, vector<64x64xf32>, vector<2000x64xf32> -> vector<2000x64xf32>
    %get3A_6 = arith.constant 0 : index
    %get3A_7 = arith.constant 0 : index
    %get3A_8 = vector.load %arg2[%get3A_6, %get3A_7] : memref<2000x64xf32, #tpu.memory_space<vmem>>, vector<2000x64xf32>
    %get3A_9 = arith.constant 0 : index
    %get3A_10 = arith.constant 0 : index
    %get3A_11 = vector.load %arg4[%get3A_9, %get3A_10] : memref<64x64xf32, #tpu.memory_space<vmem>>, vector<64x64xf32>
    %dot_general3A_12 = arith.constant dense<0.000000e+00> : vector<2000x64xf32>
    %dot_general3A_13 = tpu.matmul %get3A_8, %get3A_11, %dot_general3A_12 {dimension_numbers = #tpu.dot_dimension_numbers<[1], [0], [0], [1], [0, 0, 1, 1], [], []>, transpose_lhs_hint = false} : vector<2000x64xf32>, vector<64x64xf32>, vector<2000x64xf32> -> vector<2000x64xf32>
    %add3A = arith.addf %dot_general3A_5, %dot_general3A_13 : vector<2000x64xf32>
    %get3A_14 = arith.constant 0 : index
    %get3A_15 = arith.constant 0 : index
    %get3A_16 = vector.load %arg5[%get3A_14, %get3A_15] : memref<1x64xf32, #tpu.memory_space<vmem>>, vector<1x64xf32>
    %add3A_17 = vector.broadcast %get3A_16 : vector<1x64xf32> to vector<2000x64xf32>
    %add3A_18 = arith.addf %add3A, %add3A_17 : vector<2000x64xf32>
    %max3A = arith.constant 0.000000e+00 : f32
    %max3A_19 = vector.broadcast %max3A : f32 to vector<2000x64xf32>
    %max3A_20 = arith.maximumf %add3A_18, %max3A_19 : vector<2000x64xf32>
    %get3A_21 = arith.constant 0 : index
    %get3A_22 = arith.constant 0 : index
    %get3A_23 = vector.load %arg6[%get3A_21, %get3A_22] : memref<64x64xf32, #tpu.memory_space<vmem>>, vector<64x64xf32>
    %dot_general3A_24 = arith.constant dense<0.000000e+00> : vector<2000x64xf32>
    %dot_general3A_25 = tpu.matmul %max3A_20, %get3A_23, %dot_general3A_24 {dimension_numbers = #tpu.dot_dimension_numbers<[1], [0], [0], [1], [0, 0, 1, 1], [], []>, transpose_lhs_hint = false} : vector<2000x64xf32>, vector<64x64xf32>, vector<2000x64xf32> -> vector<2000x64xf32>
    %get3A_26 = arith.constant 0 : index
    %get3A_27 = arith.constant 0 : index
    %get3A_28 = vector.load %arg7[%get3A_26, %get3A_27] : memref<1x64xf32, #tpu.memory_space<vmem>>, vector<1x64xf32>
    %add3A_29 = vector.broadcast %get3A_28 : vector<1x64xf32> to vector<2000x64xf32>
    %add3A_30 = arith.addf %dot_general3A_25, %add3A_29 : vector<2000x64xf32>
    %max3A_31 = arith.constant 0.000000e+00 : f32
    %max3A_32 = vector.broadcast %max3A_31 : f32 to vector<2000x64xf32>
    %max3A_33 = arith.maximumf %add3A_30, %max3A_32 : vector<2000x64xf32>
    %get3A_34 = arith.constant 0 : index
    %get3A_35 = arith.constant 0 : index
    %get3A_36 = vector.load %arg8[%get3A_34, %get3A_35] : memref<64x64xf32, #tpu.memory_space<vmem>>, vector<64x64xf32>
    %dot_general3A_37 = arith.constant dense<0.000000e+00> : vector<2000x64xf32>
    %dot_general3A_38 = tpu.matmul %max3A_33, %get3A_36, %dot_general3A_37 {dimension_numbers = #tpu.dot_dimension_numbers<[1], [0], [0], [1], [0, 0, 1, 1], [], []>, transpose_lhs_hint = false} : vector<2000x64xf32>, vector<64x64xf32>, vector<2000x64xf32> -> vector<2000x64xf32>
    %get3A_39 = arith.constant 0 : index
    %get3A_40 = arith.constant 0 : index
    %get3A_41 = vector.load %arg9[%get3A_39, %get3A_40] : memref<1x64xf32, #tpu.memory_space<vmem>>, vector<1x64xf32>
    %add3A_42 = vector.broadcast %get3A_41 : vector<1x64xf32> to vector<2000x64xf32>
    %add3A_43 = arith.addf %dot_general3A_38, %add3A_42 : vector<2000x64xf32>
    %get3A_44 = arith.constant 0 : index
    %get3A_45 = arith.constant 0 : index
    %get3A_46 = vector.load %arg10[%get3A_44, %get3A_45] : memref<1x64xf32, #tpu.memory_space<vmem>>, vector<1x64xf32>
    %get3A_47 = arith.constant 0 : index
    %get3A_48 = arith.constant 0 : index
    %get3A_49 = vector.load %arg11[%get3A_47, %get3A_48] : memref<1x64xf32, #tpu.memory_space<vmem>>, vector<1x64xf32>
    %reduce_sum3A = arith.constant dense<0.000000e+00> : vector<2000xf32>
    %reduce_sum3A_50 = vector.multi_reduction <add>, %add3A_43, %reduce_sum3A [1] : vector<2000x64xf32> to vector<2000xf32>
    %broadcast_in_dim3A = vector.shape_cast %reduce_sum3A_50 : vector<2000xf32> to vector<2000x1xf32>
    %div3A = arith.constant 6.400000e+01 : f32
    %div3A_51 = vector.broadcast %div3A : f32 to vector<2000x1xf32>
    %div3A_52 = arith.divf %broadcast_in_dim3A, %div3A_51 : vector<2000x1xf32>
    %sub3A = vector.broadcast %div3A_52 : vector<2000x1xf32> to vector<2000x64xf32>
    %sub3A_53 = arith.subf %add3A_43, %sub3A : vector<2000x64xf32>
    %mul3A = arith.mulf %sub3A_53, %sub3A_53 : vector<2000x64xf32>
    %reduce_sum3A_54 = arith.constant dense<0.000000e+00> : vector<2000xf32>
    %reduce_sum3A_55 = vector.multi_reduction <add>, %mul3A, %reduce_sum3A_54 [1] : vector<2000x64xf32> to vector<2000xf32>
    %broadcast_in_dim3A_56 = vector.shape_cast %reduce_sum3A_55 : vector<2000xf32> to vector<2000x1xf32>
    %div3A_57 = arith.constant 6.400000e+01 : f32
    %div3A_58 = vector.broadcast %div3A_57 : f32 to vector<2000x1xf32>
    %div3A_59 = arith.divf %broadcast_in_dim3A_56, %div3A_58 : vector<2000x1xf32>
    %add3A_60 = arith.constant 9.99999974E-6 : f32
    %add3A_61 = vector.broadcast %add3A_60 : f32 to vector<2000x1xf32>
    %add3A_62 = arith.addf %div3A_59, %add3A_61 : vector<2000x1xf32>
    %rsqrt3A = math.rsqrt %add3A_62 : vector<2000x1xf32>
    %mul3A_63 = vector.broadcast %rsqrt3A : vector<2000x1xf32> to vector<2000x64xf32>
    %mul3A_64 = arith.mulf %sub3A_53, %mul3A_63 : vector<2000x64xf32>
    %mul3A_65 = vector.broadcast %get3A_46 : vector<1x64xf32> to vector<2000x64xf32>
    %mul3A_66 = arith.mulf %mul3A_64, %mul3A_65 : vector<2000x64xf32>
    %add3A_67 = vector.broadcast %get3A_49 : vector<1x64xf32> to vector<2000x64xf32>
    %add3A_68 = arith.addf %mul3A_66, %add3A_67 : vector<2000x64xf32>
    %add3A_69 = arith.addf %get3A_1, %add3A_68 : vector<2000x64xf32>
    %swap3A = arith.constant 0 : index
    %swap3A_70 = arith.constant 0 : index
    %swap3A_71 = vector.load %arg12[%swap3A, %swap3A_70] : memref<2000x64xf32, #tpu.memory_space<vmem>>, vector<2000x64xf32>
    tpu.vector_store %arg12[%swap3A, %swap3A_70], %add3A_69 {strides = array<i32>} : memref<2000x64xf32, #tpu.memory_space<vmem>>, vector<2000x64xf32>,
    return
  }
  func.func @transform_0(%arg0: i32) -> (i32, i32) {
    %c0_i32 = arith.constant 0 : i32
    %c0_i32_0 = arith.constant 0 : i32
    return %arg0, %c0_i32 : i32, i32
  }
  func.func @transform_1(%arg0: i32) -> (i32, i32) {
    %c0_i32 = arith.constant 0 : i32
    %c0_i32_0 = arith.constant 0 : i32
    return %arg0, %c0_i32 : i32, i32
  }
  func.func @transform_2(%arg0: i32) -> (i32, i32) {
    %c0_i32 = arith.constant 0 : i32
    %c0_i32_0 = arith.constant 0 : i32
    %c0_i32_1 = arith.constant 0 : i32
    return %c0_i32, %c0_i32_0 : i32, i32
  }
  func.func @transform_3(%arg0: i32) -> (i32, i32) {
    %c0_i32 = arith.constant 0 : i32
    %c0_i32_0 = arith.constant 0 : i32
    %c0_i32_1 = arith.constant 0 : i32
    return %c0_i32, %c0_i32_0 : i32, i32
  }
  func.func @transform_4(%arg0: i32) -> (i32, i32) {
    %c0_i32 = arith.constant 0 : i32
    %c0_i32_0 = arith.constant 0 : i32
    %c0_i32_1 = arith.constant 0 : i32
    return %c0_i32, %c0_i32_0 : i32, i32
  }
  func.func @transform_5(%arg0: i32) -> (i32, i32) {
    %c0_i32 = arith.constant 0 : i32
    %c0_i32_0 = arith.constant 0 : i32
    %c0_i32_1 = arith.constant 0 : i32
    return %c0_i32, %c0_i32_0 : i32, i32
  }
  func.func @transform_6(%arg0: i32) -> (i32, i32) {
    %c0_i32 = arith.constant 0 : i32
    %c0_i32_0 = arith.constant 0 : i32
    %c0_i32_1 = arith.constant 0 : i32
    return %c0_i32, %c0_i32_0 : i32, i32
  }
  func.func @transform_7(%arg0: i32) -> (i32, i32) {
    %c0_i32 = arith.constant 0 : i32
    %c0_i32_0 = arith.constant 0 : i32
    %c0_i32_1 = arith.constant 0 : i32
    return %c0_i32, %c0_i32_0 : i32, i32
  }
  func.func @transform_8(%arg0: i32) -> (i32, i32) {
    %c0_i32 = arith.constant 0 : i32
    %c0_i32_0 = arith.constant 0 : i32
    %c0_i32_1 = arith.constant 0 : i32
    return %c0_i32, %c0_i32_0 : i32, i32
  }
  func.func @transform_9(%arg0: i32) -> (i32, i32) {
    %c0_i32 = arith.constant 0 : i32
    %c0_i32_0 = arith.constant 0 : i32
    %c0_i32_1 = arith.constant 0 : i32
    return %c0_i32, %c0_i32_0 : i32, i32
  }
  func.func @transform_10(%arg0: i32) -> (i32, i32) {
    %c0_i32 = arith.constant 0 : i32
    %c0_i32_0 = arith.constant 0 : i32
    %c0_i32_1 = arith.constant 0 : i32
    return %c0_i32, %c0_i32_0 : i32, i32
  }
  func.func @transform_11(%arg0: i32) -> (i32, i32) {
    %c0_i32 = arith.constant 0 : i32
    %c0_i32_0 = arith.constant 0 : i32
    return %arg0, %c0_i32 : i32, i32
  }
}

module attributes {stable_mosaic.version = 14 : i64} {
  func.func @_dec_body(%arg0: i32, %arg1: memref<2000x64xf32, #tpu.memory_space<vmem>>, %arg2: memref<64x64xf32, #tpu.memory_space<vmem>>, %arg3: memref<1x64xf32, #tpu.memory_space<vmem>>, %arg4: memref<64x64xf32, #tpu.memory_space<vmem>>, %arg5: memref<1x64xf32, #tpu.memory_space<vmem>>, %arg6: memref<64x8xf32, #tpu.memory_space<vmem>>, %arg7: memref<1x8xf32, #tpu.memory_space<vmem>>, %arg8: memref<2000x8xf32, #tpu.memory_space<vmem>>) attributes {dimension_semantics = [#tpu.dimension_semantics<arbitrary>], iteration_bounds = array<i64: 25>, scalar_prefetch = 0 : i64, scratch_operands = 0 : i64, tpu.core_type = #tpu.core_type<tc>, window_params = [{transform_indices = @transform_0, window_bounds = array<i64: 2000, 64>}, {pipeline_mode = #tpu.pipeline_mode<synchronous>, transform_indices = @transform_1, window_bounds = array<i64: 64, 64>}, {pipeline_mode = #tpu.pipeline_mode<synchronous>, transform_indices = @transform_2, window_bounds = array<i64: 1, 64>}, {pipeline_mode = #tpu.pipeline_mode<synchronous>, transform_indices = @transform_3, window_bounds = array<i64: 64, 64>}, {pipeline_mode = #tpu.pipeline_mode<synchronous>, transform_indices = @transform_4, window_bounds = array<i64: 1, 64>}, {pipeline_mode = #tpu.pipeline_mode<synchronous>, transform_indices = @transform_5, window_bounds = array<i64: 64, 8>}, {pipeline_mode = #tpu.pipeline_mode<synchronous>, transform_indices = @transform_6, window_bounds = array<i64: 1, 8>}, {transform_indices = @transform_7, window_bounds = array<i64: 2000, 8>}]} {
    %get3A = arith.constant 0 : index
    %get3A_0 = arith.constant 0 : index
    %get3A_1 = vector.load %arg1[%get3A, %get3A_0] : memref<2000x64xf32, #tpu.memory_space<vmem>>, vector<2000x64xf32>
    %get3A_2 = arith.constant 0 : index
    %get3A_3 = arith.constant 0 : index
    %get3A_4 = vector.load %arg2[%get3A_2, %get3A_3] : memref<64x64xf32, #tpu.memory_space<vmem>>, vector<64x64xf32>
    %dot_general3A = arith.constant dense<0.000000e+00> : vector<2000x64xf32>
    %dot_general3A_5 = tpu.matmul %get3A_1, %get3A_4, %dot_general3A {dimension_numbers = #tpu.dot_dimension_numbers<[1], [0], [0], [1], [0, 0, 1, 1], [], []>, transpose_lhs_hint = false} : vector<2000x64xf32>, vector<64x64xf32>, vector<2000x64xf32> -> vector<2000x64xf32>
    %get3A_6 = arith.constant 0 : index
    %get3A_7 = arith.constant 0 : index
    %get3A_8 = vector.load %arg3[%get3A_6, %get3A_7] : memref<1x64xf32, #tpu.memory_space<vmem>>, vector<1x64xf32>
    %add3A = vector.broadcast %get3A_8 : vector<1x64xf32> to vector<2000x64xf32>
    %add3A_9 = arith.addf %dot_general3A_5, %add3A : vector<2000x64xf32>
    %max3A = arith.constant 0.000000e+00 : f32
    %max3A_10 = vector.broadcast %max3A : f32 to vector<2000x64xf32>
    %max3A_11 = arith.maximumf %add3A_9, %max3A_10 : vector<2000x64xf32>
    %get3A_12 = arith.constant 0 : index
    %get3A_13 = arith.constant 0 : index
    %get3A_14 = vector.load %arg4[%get3A_12, %get3A_13] : memref<64x64xf32, #tpu.memory_space<vmem>>, vector<64x64xf32>
    %dot_general3A_15 = arith.constant dense<0.000000e+00> : vector<2000x64xf32>
    %dot_general3A_16 = tpu.matmul %max3A_11, %get3A_14, %dot_general3A_15 {dimension_numbers = #tpu.dot_dimension_numbers<[1], [0], [0], [1], [0, 0, 1, 1], [], []>, transpose_lhs_hint = false} : vector<2000x64xf32>, vector<64x64xf32>, vector<2000x64xf32> -> vector<2000x64xf32>
    %get3A_17 = arith.constant 0 : index
    %get3A_18 = arith.constant 0 : index
    %get3A_19 = vector.load %arg5[%get3A_17, %get3A_18] : memref<1x64xf32, #tpu.memory_space<vmem>>, vector<1x64xf32>
    %add3A_20 = vector.broadcast %get3A_19 : vector<1x64xf32> to vector<2000x64xf32>
    %add3A_21 = arith.addf %dot_general3A_16, %add3A_20 : vector<2000x64xf32>
    %max3A_22 = arith.constant 0.000000e+00 : f32
    %max3A_23 = vector.broadcast %max3A_22 : f32 to vector<2000x64xf32>
    %max3A_24 = arith.maximumf %add3A_21, %max3A_23 : vector<2000x64xf32>
    %get3A_25 = arith.constant 0 : index
    %get3A_26 = arith.constant 0 : index
    %get3A_27 = vector.load %arg6[%get3A_25, %get3A_26] : memref<64x8xf32, #tpu.memory_space<vmem>>, vector<64x8xf32>
    %dot_general3A_28 = arith.constant dense<0.000000e+00> : vector<2000x8xf32>
    %dot_general3A_29 = tpu.matmul %max3A_24, %get3A_27, %dot_general3A_28 {dimension_numbers = #tpu.dot_dimension_numbers<[1], [0], [0], [1], [0, 0, 1, 1], [], []>, transpose_lhs_hint = false} : vector<2000x64xf32>, vector<64x8xf32>, vector<2000x8xf32> -> vector<2000x8xf32>
    %get3A_30 = arith.constant 0 : index
    %get3A_31 = arith.constant 0 : index
    %get3A_32 = vector.load %arg7[%get3A_30, %get3A_31] : memref<1x8xf32, #tpu.memory_space<vmem>>, vector<1x8xf32>
    %add3A_33 = vector.broadcast %get3A_32 : vector<1x8xf32> to vector<2000x8xf32>
    %add3A_34 = arith.addf %dot_general3A_29, %add3A_33 : vector<2000x8xf32>
    %swap3A = arith.constant 0 : index
    %swap3A_35 = arith.constant 0 : index
    %swap3A_36 = vector.load %arg8[%swap3A, %swap3A_35] : memref<2000x8xf32, #tpu.memory_space<vmem>>, vector<2000x8xf32>
    tpu.vector_store %arg8[%swap3A, %swap3A_35], %add3A_34 {strides = array<i32>} : memref<2000x8xf32, #tpu.memory_space<vmem>>, vector<2000x8xf32>,
    return
  }
  func.func @transform_0(%arg0: i32) -> (i32, i32) {
    %c0_i32 = arith.constant 0 : i32
    %c0_i32_0 = arith.constant 0 : i32
    return %arg0, %c0_i32 : i32, i32
  }
  func.func @transform_1(%arg0: i32) -> (i32, i32) {
    %c0_i32 = arith.constant 0 : i32
    %c0_i32_0 = arith.constant 0 : i32
    %c0_i32_1 = arith.constant 0 : i32
    return %c0_i32, %c0_i32_0 : i32, i32
  }
  func.func @transform_2(%arg0: i32) -> (i32, i32) {
    %c0_i32 = arith.constant 0 : i32
    %c0_i32_0 = arith.constant 0 : i32
    %c0_i32_1 = arith.constant 0 : i32
    return %c0_i32, %c0_i32_0 : i32, i32
  }
  func.func @transform_3(%arg0: i32) -> (i32, i32) {
    %c0_i32 = arith.constant 0 : i32
    %c0_i32_0 = arith.constant 0 : i32
    %c0_i32_1 = arith.constant 0 : i32
    return %c0_i32, %c0_i32_0 : i32, i32
  }
  func.func @transform_4(%arg0: i32) -> (i32, i32) {
    %c0_i32 = arith.constant 0 : i32
    %c0_i32_0 = arith.constant 0 : i32
    %c0_i32_1 = arith.constant 0 : i32
    return %c0_i32, %c0_i32_0 : i32, i32
  }
  func.func @transform_5(%arg0: i32) -> (i32, i32) {
    %c0_i32 = arith.constant 0 : i32
    %c0_i32_0 = arith.constant 0 : i32
    %c0_i32_1 = arith.constant 0 : i32
    return %c0_i32, %c0_i32_0 : i32, i32
  }
  func.func @transform_6(%arg0: i32) -> (i32, i32) {
    %c0_i32 = arith.constant 0 : i32
    %c0_i32_0 = arith.constant 0 : i32
    %c0_i32_1 = arith.constant 0 : i32
    return %c0_i32, %c0_i32_0 : i32, i32
  }
  func.func @transform_7(%arg0: i32) -> (i32, i32) {
    %c0_i32 = arith.constant 0 : i32
    %c0_i32_0 = arith.constant 0 : i32
    return %arg0, %c0_i32 : i32, i32
  }
}

</mosaic_0001>

<sc_bundles>
// kernel: kernel.13.cloned.1.call-start
scs
__scs_entry_jumppad:
0x0: {  	(pc) =	sbr.rel $0x88, $3  }
0x1: {  	(tag) =	ssettag $0x0;
	lr =	simm.s32 $0x1  }
0x2: {  	[smem:$0x3F64] =	sst lr;
	_ =	strace $0xD0000000  }
0x3: {  	_ = 	snop  }
0x4: {  	_ = 	snop  }
0x5: {  	_ = 	snop  }
0x6: {  	_ = 	snop  }
0x7: {  	_ = 	snop  }
__scs_overlays_trampoline_lowered:
0x8: {  	[smem:$0x3F73] =	sst s0  }
0x9: {  	[smem:$0x3F74] =	sst s1  }
0xa: {  	[smem:$0x3F75] =	sst s2  }
0xb: {  	[smem:$0x3F76] =	sst s3  }
0xc: {  	[smem:$0x3F77] =	sst s4  }
0xd: {  	[smem:$0x3F78] =	sst s5  }
0xe: {  	[smem:$0x3F79] =	sst s6  }
0xf: {  	[smem:$0x3F7A] =	sst s7  }
0x10: {  	[smem:$0x3F7B] =	sst s8  }
0x11: {  	[smem:$0x3F7C] =	sst s9;
	s0 =	simm.s32 @!p0 $0x0  }
0x12: {  	s1 =	sld [smem:$0x3F62];
	s0 =	simm.s32 @p0 $0x1  }
0x13: {  	[smem:$0x3F7D] =	sst s0;
	s0 =	simm.s32 @!p1 $0x0  }
0x14: {  	s2 =	sld [smem:$0x3F61];
	s0 =	simm.s32 @p1 $0x1  }
0x15: {  	[smem:$0x3F7E] =	sst s0;
	s0 =	simm.s32 @!p2 $0x0  }
0x16: {  	s3 =	sld [smem:$0x3FDB];
	s0 =	simm.s32 @p2 $0x1  }
0x17: {  	s4 =	simm.s32 $0x1BF5;
	[smem:$0x3F80] =	sst s0  }
0x18: {  	s0 =	sld [smem:$0x3F63];
	_ =	swait.ge [sflag:s4], $0x0  }
0x19: {  	s7 =	sld [smem:$0x3F64]  }
0x1a: {  	s8 =	sadd.s32 $0xFFFFE003, lr  }
0x1b: {  	s9 =	sadd.s32 $0xFFFFFEF7, lr;
	s5 =	simm.s32 $0xFFFFFFFF;
	p2 =	slt.u32 s8, $0xFFFFF086  }
0x1c: {  	p1 =	slt.u32 s9, $0xF7A;
	s5 =	simm.s32 @!p2 $0x0  }
0x1d: {  	s5 =	simm.s32 @p1 $0x1;
	p0 =	seq.s32 s7, s2  }
0x1e: {  	s7 =	smul.u32 @!p0 $0xF7A, s2;
	p2 =	seq.s32 @!p0 s5, $0x0  }
0x1f: {  	s9 =	smul.u32 $0xF7A, s1;
	s8 =	simm.s32 @!p0 $0x1BF5;
	p2 =	por !p2, p0  }
0x20: {  	[sflag:s8] =	ssyncset.s32 @!p0 $0xFFFFF086;
	s6 =	sadd.s32 @!p0 s3, s7;
	s7 =	simm.s32 @!p0 $0x108  }
0x21: {  	s3 =	sadd.s32 s3, s9;
	s6 =	sadd.s32 @!p0 $0x88, s6;
	s7 =	simm.s32 @p2 $0x1082  }
0x22: {  	[simem:s7], [sflag:s8] =	dma.local @!p0 [hbm:s6], $0xF7A  }
0x23: {  	s9 =	sor.u32 $0xD0000000, s2;
	s6 =	simm.s32 $0x108;
	_ =	swait.ge @!p0 [sflag:s8], $0x0  }
0x24: {  	s3 =	sadd.s32 $0x88, s3;
	s6 =	simm.s32 @!p1 $0x1082;
	[sflag:s4] =	ssyncset.s32 $0xFFFFF086  }
0x25: {  	[simem:s6], [sflag:s4] =	dma.local [hbm:s3], $0xF7A  }
0x26: {  	[smem:$0x3F64] =	sst s1;
	(tag) =	ssettag s2;
	_ =	strace s9  }
0x27: {  	s1 =	sld [smem:$0x3F74]  }
0x28: {  	s2 =	sld [smem:$0x3F75]  }
0x29: {  	s4 =	sld [smem:$0x3F77]  }
0x2a: {  	p0 =	seq.s32 s5, $0x0;
	s5 =	sld [smem:$0x3F78]  }
0x2b: {  	s6 =	sld [smem:$0x3F79]  }
0x2c: {  	s7 =	sld [smem:$0x3F7A]  }
0x2d: {  	s3 =	simm.s32 $0x108;
	s8 =	sld [smem:$0x3F7B]  }
0x2e: {  	s3 =	simm.s32 @!p0 $0x1082;
	s9 =	sld [smem:$0x3F7C]  }
0x2f: {  	lr =	sadd.s32 s0, s3;
	s0 =	sld [smem:$0x3F73]  }
0x30: {  	s3 =	sld [smem:$0x3F76]  }
0x31: {  	[smem:$0x3F7F] =	sst s10  }
0x32: {  	s10 =	sld [smem:$0x3F7D];
	_ =	sdelay $0x3  }
0x33: {  	p0 =	seq.s32 s10, $0x1;
	s10 =	sld [smem:$0x3F7F];
	_ =	sdelay $0x3  }
0x34: {  	[smem:$0x3F7F] =	sst s10  }
0x35: {  	s10 =	sld [smem:$0x3F7E];
	_ =	sdelay $0x3  }
0x36: {  	p1 =	seq.s32 s10, $0x1;
	s10 =	sld [smem:$0x3F7F];
	_ =	sdelay $0x3  }
0x37: {  	[smem:$0x3F7F] =	sst s10  }
0x38: {  	s10 =	sld [smem:$0x3F80]  }
0x39: {  	_ = 	snop;
	(pc) =	sbr.ind lr, $3  }
0x3a: {  	_ = 	snop  }
0x3b: {  	_ = 	snop  }
0x3c: {  	p2 =	seq.s32 s10, $0x1;
	s10 =	sld [smem:$0x3F7F]  }
0x3d: {  	_ =	shalt  }
0x3e: {  	_ =	shalt  }
0x3f: {  	_ =	shalt  }
0x40: {  	_ =	shalt  }
0x41: {  	_ =	shalt  }
0x42: {  	_ =	shalt  }
0x43: {  	_ =	shalt  }
0x44: {  	_ =	shalt  }
0x45: {  	_ =	shalt  }
0x46: {  	_ =	shalt  }
0x47: {  	_ =	shalt  }
0x48: {  	_ =	shalt  }
0x49: {  	_ =	shalt  }
0x4a: {  	_ =	shalt  }
0x4b: {  	_ =	shalt  }
0x4c: {  	_ =	shalt  }
0x4d: {  	_ =	shalt  }
0x4e: {  	_ =	shalt  }
0x4f: {  	_ =	shalt  }
0x50: {  	_ =	shalt  }
0x51: {  	_ =	shalt  }
0x52: {  	_ =	shalt  }
0x53: {  	_ =	shalt  }
0x54: {  	_ =	shalt  }
0x55: {  	_ =	shalt  }
0x56: {  	_ =	shalt  }
0x57: {  	_ =	shalt  }
0x58: {  	_ =	shalt  }
0x59: {  	_ =	shalt  }
0x5a: {  	_ =	shalt  }
0x5b: {  	_ =	shalt  }
0x5c: {  	_ =	shalt  }
0x5d: {  	_ =	shalt  }
0x5e: {  	_ =	shalt  }
0x5f: {  	_ =	shalt  }
0x60: {  	_ =	shalt  }
0x61: {  	_ =	shalt  }
0x62: {  	_ =	shalt  }
0x63: {  	_ =	shalt  }
0x64: {  	_ =	shalt  }
0x65: {  	_ =	shalt  }
0x66: {  	_ =	shalt  }
0x67: {  	_ =	shalt  }
0x68: {  	_ =	shalt  }
0x69: {  	_ =	shalt  }
0x6a: {  	_ =	shalt  }
0x6b: {  	_ =	shalt  }
0x6c: {  	_ =	shalt  }
0x6d: {  	_ =	shalt  }
0x6e: {  	_ =	shalt  }
0x6f: {  	_ =	shalt  }
0x70: {  	_ =	shalt  }
0x71: {  	_ =	shalt  }
0x72: {  	_ =	shalt  }
0x73: {  	_ =	shalt  }
0x74: {  	_ =	shalt  }
0x75: {  	_ =	shalt  }
0x76: {  	_ =	shalt  }
0x77: {  	_ =	shalt  }
0x78: {  	_ =	shalt  }
0x79: {  	_ =	shalt  }
0x7a: {  	_ =	shalt  }
0x7b: {  	_ =	shalt  }
0x7c: {  	_ =	shalt  }
0x7d: {  	_ =	shalt  }
0x7e: {  	_ =	shalt  }
0x7f: {  	_ =	shalt  }
0x80: {  	_ =	shalt  }
0x81: {  	_ =	shalt  }
0x82: {  	_ =	shalt  }
0x83: {  	_ =	shalt  }
0x84: {  	_ =	shalt  }
0x85: {  	_ =	shalt  }
0x86: {  	_ =	shalt  }
0x87: {  	_ =	shalt  }
.Lfunc_end0:
.L_simem_size_0:
called_computation_lowered:
.L_overlay_start_0:
0x88: {  	s2 =	sld [smem:$0x3FD9]  }
0x89: {  	s3 =	sld [smem:$0x3FFE];
	_ =	sdelay $0x1  }
0x8a: {  	s1 =	srdreg.scid  }
0x8b: {  	s0 =	sand.u32 $0x1, s1  }
0x8c: {  	s16 =	sshll.u32 s0, $0xA;
	s2 =	sadd.s32 s3, s2  }
0x8d: {  	s2 =	sadd.s32 s2, s16  }
0x8e: {  	[smem:$0x3F8B] =	sst s2  }
0x8f: {  	_ = 	snop  }
0x90: {  	(tm) =	ssettm $0x1  }
0x91: {  	s17 =	sld [smem:$0x3FFB];
	_ =	sdelay $0x3  }
0x92: {  	_ =	strace s17  }
0x93: {  	s2 =	sld [smem:$0x3FFC];
	_ =	sdelay $0x3  }
0x94: {  	_ =	strace s2  }
0x95: {  	s2 =	sld [smem:$0x3FFD];
	_ =	sdelay $0x3  }
0x96: {  	_ =	strace s2  }
0x97: {  	_ =	strace $0x8FFFFFFF  }
0x98: {  	s18 =	sld [smem:$0x3FDB];
	_ =	sdelay $0x1  }
0x99: {  	s19 =	simm.s32 $_scs_section_size  }
0x9a: {  	s4 =	simm.s32 $_size__tile_overlayer_lowered;
	s5 =	simm.s32 $_tile_overlayer_lowered  }
0x9b: {  	s22 =	simm.s32 $0x1BFF;
	s21 =	sshll.u32 s5, $0x1;
	s2 =	sadd.s32 s19, s18  }
0x9c: {  	s6 =	simm.s32 $0x0;
	s20 =	sshll.u32 s4, $0x1;
	s4 =	sadd.s32 s21, s2  }
0x9d: {  	[timem:s6], [sflag:s22] =	dma.local [hbm:s4], s20  }
0x9e: {  	_ =	swait.ge [sflag:s22], s20  }
0x9f: {  	s3 =	ssub.s32 $0x0, s20;
	[sflag:s22] =	ssyncset.done $0x0  }
0xa0: {  	[sflag:s22] =	ssyncadd.s32 s3;
	_ =	sdelay $0x1  }
0xa1: {  	s23 =	simm.s32 $0x1B8B  }
0xa2: {  	_ =	swait.ge [sflag:s23], $0x1  }
0xa3: {  	[sflag:s23] =	ssyncset.done $0x0  }
0xa4: {  	s25 =	simm.s32 $0x1B8E;
	s24 =	sld [smem:$0x3FFE];
	[sflag:s23] =	ssyncadd.s32 $0xFFFFFFFF  }
0xa5: {  	s26 =	simm.s32 $execute0_lowered;
	[smem:$0x3FD2] =	sst s25  }
0xa6: {  	s4 =	sshll.u32 s26, $0x1;
	_ =	strace $0x80000046;
	[dreg:$0x1] =	wrdreg $0xFFFFFFFF  }
0xa7: {  	s28 =	simm.s32 $_size_execute0_lowered;
	s2 =	sadd.s32 s2, s4;
	[dreg:$0x0] =	wrdreg $0x0  }
0xa8: {  	s4 =	sshll.u32 s28, $0x1;
	[dreg:$0x2] =	wrdreg s2  }
0xa9: {  	[dreg:$0x3] =	wrdreg s4  }
0xaa: {  	[dreg:$0x4] =	wrdreg $0xC0  }
0xab: {  	_ =	task [dreg:s6], $0x5FFFF  }
0xac: {  	[dreg:$0x1] =	wrdreg $0xFFFFFFFF  }
0xad: {  	[dreg:$0x0] =	wrdreg $0x60  }
0xae: {  	[dreg:$0x2] =	wrdreg s24  }
0xaf: {  	[dreg:$0x3] =	wrdreg $0x9  }
0xb0: {  	_ =	task.clear_ibuf [dreg:s6], $0x4FFFF;
	_ =	strace $0x90000046  }
0xb1: {  	s29 =	simm.s32 $0x9;
	_ =	strace $0x80000048  }
0xb2: {  	_ =	swait.ge [sflag:s29], $0x1  }
0xb3: {  	[sflag:s29] =	ssyncadd.s32 $0xFFFFFFFF  }
0xb4: {  	_ =	strace $0x90000048  }
0xb5: {  	_ =	sfence  }
0xb6: {  	s30 =	sld [smem:$0x0];
	_ =	sdelay $0x2  }
0xb7: {  	s31 =	sshll.u32 s1, $0xD;
	s1 =	sshrl.u32 s1, $0x2  }
0xb8: {  	s3 =	sand.u32 $0x4000, s31;
	s1 =	sadd.s32 s1, s30  }
0xb9: {  	s0 =	sor.u32 s3, s0;
	s1 =	sshll.u32 s1, $0x11  }
0xba: {  	s0 =	sor.u32 s1, s0  }
0xbb: {  	s0 =	sadd.s32 $0x8F2B, s0  }
0xbc: {  	[sflag:s0] =	ssyncadd.remote.s32 $0x1  }
0xbd: {  	_ =	sfence.sel $0xFFFF  }
0xbe: {  	[dreg:$0x0] =	wrdreg $0xFFFFFFFF;
	(pc) =	sbr.abs _section_cstart, $3  }
0xbf: {  	[dreg:$0x1] =	wrdreg $0xFFFFFFFF  }
0xc0: {  	_ =	task.clear_ibuf [dreg:s6], $0x2FFFF;
	_ =	strace $0x9FFFFFFF  }
0xc1: {  	(tm) =	ssettm $0x7FFFFFFF  }
tec
execute0_lowered:
.L_overlay_start_1:
0x0: {  	(tag) =	ssettag $0x1  }
0x1: {  	s4 =	rddreg [dreg:$0x0]  }
0x2: {  	s0 =	rddreg [dreg:$0x1]  }
0x3: {  	s2 =	simm.s32 $0x0;
	s1 =	stileid.u32;
	s3 =	srdreg.scid  }
0x4: {  	s12 =	simm.s32 $0x6720;
	s13 =	simm.s32 $0x1;
	s14 =	simm.s32 $0x2  }
0x5: {  	s15 =	simm.s32 $0x0;
	[smem:$0x7FF] =	sst s2;
	s5 =	smul.u32 $0x64, s1  }
0x6: {  	s6 =	sand.u32 $0x1, s3;
	s7 =	smul.u32 $0x1900, s1;
	s3 =	sadd.s32 $0x56C00, s4  }
0x7: {  	_ =	strace $0x80000047;
	s8 =	ssub.s32 $0x2, s6;
	s10 =	smul.u32 $0xC80, s6  }
0x8: {  	s29 =	smul.u32 $0x32, s6;
	s9 =	sshrl.u32 s8, $0x1;
	s7 =	sadd.s32 s7, s4  }
0x9: {  	s11 =	sadd.s32 s5, s4;
	s8 =	ssub.s32 s8, s9;
	s30 =	sadd.s32 s10, s7  }
0xa: {  	s31 =	sadd.s32 s29, s11;
	s9 =	simm.s32 $0x3;
	s10 =	simm.s32 $0x190  }
0xb: {  	s11 =	simm.s32 $0x320;
	s4 =	smax.u32 s8, $0x1;
	s5 =	sadd.s32 $0x1DD800, s30  }
0xc: {  	s6 =	sadd.s32 $0x81D800, s30;
	s7 =	sadd.s32 $0xB8800, s31;
	s8 =	sadd.s32 $0x3DC00, s31  }
.LBB2_1:
0xd: {  	s16 =	sadd.s32 $0x0, s7  }
0xe: {  	[tilespmem:s2], [sflag:$0x3] =	stream.linear.gather [hbm4b:s16+s2], $0x190, $0x38;
	[tilespmem:$0xCB20] =	vst v63  }
0xf: {  	_ =	swait.ge [sflag:s9], $0x190  }
0x10: {  	[sflag:s9] =	ssyncset.done $0x0  }
0x11: {  	s31 =	sadd.s32 $0x0, s8;
	[sflag:s9] =	ssyncadd.s32 $0xFFFFFE70  }
0x12: {  	[tilespmem:s10], [sflag:$0x3] =	stream.linear.gather [hbm4b:s31+s2], $0x190, $0x38;
	[tilespmem:$0xCB20] =	vst v63  }
0x13: {  	_ =	swait.ge [sflag:s9], $0x190  }
0x14: {  	[sflag:s9] =	ssyncset.done $0x0  }
0x15: {  	[sflag:s9] =	ssyncadd.s32 $0xFFFFFE70  }
0x16: {  	[tilespmem:s11], [sflag:$0x1] =	stream.indirect.gather [hbm4b:s3+s10], $0x40, s2, s10, $0xb8;
	[tilespmem:$0xCB20] =	vst v63  }
0x17: {  	_ = 	snop  }
0x18: {  	[tilespmem:s12], [sflag:$0x2] =	stream.indirect.gather [hbm4b:s3+s10], $0x40, s10, s10, $0xb8;
	[tilespmem:$0xCB20] =	vst v63  }
0x19: {  	_ =	swait.ge [sflag:s13], $0x6400  }
0x1a: {  	[sflag:s13] =	ssyncset.done $0x0  }
0x1b: {  	[sflag:s13] =	ssyncadd.s32 $0xFFFF9C00  }
0x1c: {  	_ =	swait.ge [sflag:s14], $0x6400  }
0x1d: {  	[sflag:s14] =	ssyncset.done $0x0  }
0x1e: {  	[sflag:s14] =	ssyncadd.s32 $0xFFFF9C00  }
0x1f: {  	[hbm4b:s5+s2] =	stream.linear.scatter [tilespmem:s11], [sflag:$0x3], $0x6400, $0x38;
	[tilespmem:$0xCB20] =	vst v63  }
0x20: {  	_ =	swait.ge [sflag:s9], $0x6400  }
0x21: {  	[sflag:s9] =	ssyncset.done $0x0  }
0x22: {  	[sflag:s9] =	ssyncadd.s32 $0xFFFF9C00  }
0x23: {  	[hbm4b:s6+s2] =	stream.linear.scatter [tilespmem:s12], [sflag:$0x3], $0x6400, $0x38;
	[tilespmem:$0xCB20] =	vst v63  }
0x24: {  	s18 =	simm.s32 $0x640;
	s19 =	simm.s32 $0xC80;
	_ =	swait.ge [sflag:s9], $0x6400  }
0x25: {  	s17 =	sadd.s32 $0x19000, s5;
	s16 =	sadd.s32 $0x19000, s6;
	[sflag:s9] =	ssyncset.done $0x0  }
.LBB2_2:
0x26: {  	s20 =	sadd.s32 s18, s7  }
0x27: {  	[sflag:s9] =	ssyncadd.s32 $0xFFFF9C00;
	s21 =	smov.u32 s19;
	s22 =	sadd.s32 $0x640, s19  }
0x28: {  	[tilespmem:s2], [sflag:$0x3] =	stream.linear.gather [hbm4b:s20+s2], $0x190, $0x38;
	[tilespmem:$0xCB20] =	vst v63  }
0x29: {  	p0 =	sne.s32 s19, $0x189C0;
	_ =	swait.ge [sflag:s9], $0x190  }
0x2a: {  	[sflag:s9] =	ssyncset.done $0x0  }
0x2b: {  	s19 =	sadd.s32 s18, s8;
	s18 =	smov.u32 s21;
	[sflag:s9] =	ssyncadd.s32 $0xFFFFFE70  }
0x2c: {  	[tilespmem:s10], [sflag:$0x3] =	stream.linear.gather [hbm4b:s19+s2], $0x190, $0x38;
	[tilespmem:$0xCB20] =	vst v63  }
0x2d: {  	_ =	swait.ge [sflag:s9], $0x190  }
0x2e: {  	[sflag:s9] =	ssyncset.done $0x0  }
0x2f: {  	[sflag:s9] =	ssyncadd.s32 $0xFFFFFE70  }
0x30: {  	[tilespmem:s11], [sflag:$0x1] =	stream.indirect.gather [hbm4b:s3+s10], $0x40, s2, s10, $0xb8;
	[tilespmem:$0xCB20] =	vst v63  }
0x31: {  	_ = 	snop  }
0x32: {  	[tilespmem:s12], [sflag:$0x2] =	stream.indirect.gather [hbm4b:s3+s10], $0x40, s10, s10, $0xb8;
	[tilespmem:$0xCB20] =	vst v63  }
0x33: {  	_ =	swait.ge [sflag:s13], $0x6400  }
0x34: {  	[sflag:s13] =	ssyncset.done $0x0  }
0x35: {  	[sflag:s13] =	ssyncadd.s32 $0xFFFF9C00  }
0x36: {  	_ =	swait.ge [sflag:s14], $0x6400  }
0x37: {  	[sflag:s14] =	ssyncset.done $0x0  }
0x38: {  	[sflag:s14] =	ssyncadd.s32 $0xFFFF9C00  }
0x39: {  	[hbm4b:s17+s2] =	stream.linear.scatter [tilespmem:s11], [sflag:$0x3], $0x6400, $0x38;
	[tilespmem:$0xCB20] =	vst v63  }
0x3a: {  	_ =	swait.ge [sflag:s9], $0x6400  }
.Ltmp0:
0x3b: {  	[sflag:s9] =	ssyncset.done $0x0;
	(pc) =	sbr.rel @p0 .LBB2_2-.Ltmp0, $4  }
0x3c: {  	[sflag:s9] =	ssyncadd.s32 $0xFFFF9C00  }
0x3d: {  	[hbm4b:s16+s2] =	stream.linear.scatter [tilespmem:s12], [sflag:$0x3], $0x6400, $0x38;
	[tilespmem:$0xCB20] =	vst v63  }
0x3e: {  	s19 =	smov.u32 s22;
	_ =	swait.ge [sflag:s9], $0x6400  }
0x3f: {  	s17 =	sadd.s32 $0x19000, s17;
	s16 =	sadd.s32 $0x19000, s16;
	[sflag:s9] =	ssyncset.done $0x0  }
0x40: {  	s19 =	sadd.s32 s18, s7;
	[sflag:s9] =	ssyncadd.s32 $0xFFFF9C00  }
0x41: {  	[tilespmem:s2], [sflag:$0x3] =	stream.linear.gather [hbm4b:s19+s2], $0x190, $0x38;
	[tilespmem:$0xCB20] =	vst v63  }
0x42: {  	_ =	swait.ge [sflag:s9], $0x190  }
0x43: {  	[sflag:s9] =	ssyncset.done $0x0  }
0x44: {  	s31 =	sadd.s32 s18, s8;
	[sflag:s9] =	ssyncadd.s32 $0xFFFFFE70  }
0x45: {  	[tilespmem:s10], [sflag:$0x3] =	stream.linear.gather [hbm4b:s31+s2], $0x190, $0x38;
	[tilespmem:$0xCB20] =	vst v63  }
0x46: {  	_ =	swait.ge [sflag:s9], $0x190  }
0x47: {  	[sflag:s9] =	ssyncset.done $0x0  }
0x48: {  	[sflag:s9] =	ssyncadd.s32 $0xFFFFFE70  }
0x49: {  	[tilespmem:s11], [sflag:$0x1] =	stream.indirect.gather [hbm4b:s3+s10], $0x40, s2, s10, $0xb8;
	[tilespmem:$0xCB20] =	vst v63  }
0x4a: {  	_ = 	snop  }
0x4b: {  	[tilespmem:s12], [sflag:$0x2] =	stream.indirect.gather [hbm4b:s3+s10], $0x40, s10, s10, $0xb8;
	[tilespmem:$0xCB20] =	vst v63  }
0x4c: {  	_ =	swait.ge [sflag:s13], $0x6400  }
0x4d: {  	[sflag:s13] =	ssyncset.done $0x0  }
0x4e: {  	[sflag:s13] =	ssyncadd.s32 $0xFFFF9C00  }
0x4f: {  	_ =	swait.ge [sflag:s14], $0x6400  }
0x50: {  	[sflag:s14] =	ssyncset.done $0x0  }
0x51: {  	[sflag:s14] =	ssyncadd.s32 $0xFFFF9C00  }
0x52: {  	[hbm4b:s17+s2] =	stream.linear.scatter [tilespmem:s11], [sflag:$0x3], $0x6400, $0x38;
	[tilespmem:$0xCB20] =	vst v63  }
0x53: {  	s15 =	sadd.s32 $0x1, s15;
	_ =	swait.ge [sflag:s9], $0x6400  }
0x54: {  	p0 =	sne.s32 s15, s4;
	[sflag:s9] =	ssyncset.done $0x0  }
.Ltmp1:
0x55: {  	[sflag:s9] =	ssyncadd.s32 $0xFFFF9C00;
	(pc) =	sbr.rel @p0 .LBB2_1-.Ltmp1, $4  }
0x56: {  	[hbm4b:s16+s2] =	stream.linear.scatter [tilespmem:s12], [sflag:$0x3], $0x6400, $0x38;
	[tilespmem:$0xCB20] =	vst v63  }
0x57: {  	_ =	swait.ge [sflag:s9], $0x6400  }
0x58: {  	[sflag:s9] =	ssyncset.done $0x0  }
0x59: {  	[sflag:s9] =	ssyncadd.s32 $0xFFFF9C00  }
0x5a: {  	_ =	sfence.sel $0x180000  }
0x5b: {  	[bflag:$0x0] =	sbarrier.arrive $0xFFFF  }
0x5c: {  	p0 =	sne.s32 s1, $0x0;
	_ =	strace $0x90000047  }
0x5d: {  	s0 =	sadd.s32 @!p0 $0x100000, s0;
	[bflag:$0x2] =	sbarrier.arrive $0xFFFF  }
0x5e: {  	[sflag:s0] =	ssyncadd.tile.s32 @!p0 $0x1;
	_ =	shalt  }
.Lfunc_end2:
_tile_overlayer_lowered:
.L_overlay_start_2:
0x5f: {  	(tag) =	ssettag $0x2  }
0x60: {  	s0 =	rddreg [dreg:$0x0];
	s2 =	stileid.u32  }
0x61: {  	s1 =	rddreg [dreg:$0x1];
	p0 =	sne.s32 s2, $0x0  }
0x62: {  	s3 =	rddreg [dreg:$0x2];
	[bflag:$0x3] =	sbarrier.arrive $0xFFFF;
	s2 =	simm.s32 @!p0 $0x1C03  }
0x63: {  	[timem:s3], [sflag:s2] =	dma.local @!p0 [hbm:s0], s1  }
0x64: {  	s0 =	simm.s32 @!p0 $0x3  }
0x65: {  	_ =	swait.ge @!p0 [sflag:s0], s1  }
0x66: {  	s1 =	ssub.s32 @!p0 $0x0, s1;
	[sflag:s0] =	ssyncset.done @!p0 $0x0  }
0x67: {  	[sflag:s0] =	ssyncadd.s32 @!p0 s1  }
0x68: {  	[bflag:$0x3] =	sbarrier.arrive $0xFFFF  }
0x69: {  	_ =	shalt  }

// kernel: kernel.16.cloned.1.call-start
scs
__scs_entry_jumppad:
0x0: {  	(pc) =	sbr.rel $0x88, $3  }
0x1: {  	(tag) =	ssettag $0x0;
	lr =	simm.s32 $0x1  }
0x2: {  	[smem:$0x3F64] =	sst lr;
	_ =	strace $0xD0000000  }
0x3: {  	_ = 	snop  }
0x4: {  	_ = 	snop  }
0x5: {  	_ = 	snop  }
0x6: {  	_ = 	snop  }
0x7: {  	_ = 	snop  }
__scs_overlays_trampoline_lowered:
0x8: {  	[smem:$0x3F73] =	sst s0  }
0x9: {  	[smem:$0x3F74] =	sst s1  }
0xa: {  	[smem:$0x3F75] =	sst s2  }
0xb: {  	[smem:$0x3F76] =	sst s3  }
0xc: {  	[smem:$0x3F77] =	sst s4  }
0xd: {  	[smem:$0x3F78] =	sst s5  }
0xe: {  	[smem:$0x3F79] =	sst s6  }
0xf: {  	[smem:$0x3F7A] =	sst s7  }
0x10: {  	[smem:$0x3F7B] =	sst s8  }
0x11: {  	[smem:$0x3F7C] =	sst s9;
	s0 =	simm.s32 @!p0 $0x0  }
0x12: {  	s1 =	sld [smem:$0x3F62];
	s0 =	simm.s32 @p0 $0x1  }
0x13: {  	[smem:$0x3F7D] =	sst s0;
	s0 =	simm.s32 @!p1 $0x0  }
0x14: {  	s2 =	sld [smem:$0x3F61];
	s0 =	simm.s32 @p1 $0x1  }
0x15: {  	[smem:$0x3F7E] =	sst s0;
	s0 =	simm.s32 @!p2 $0x0  }
0x16: {  	s3 =	sld [smem:$0x3FDB];
	s0 =	simm.s32 @p2 $0x1  }
0x17: {  	s4 =	simm.s32 $0x1BF5;
	[smem:$0x3F80] =	sst s0  }
0x18: {  	s0 =	sld [smem:$0x3F63];
	_ =	swait.ge [sflag:s4], $0x0  }
0x19: {  	s7 =	sld [smem:$0x3F64]  }
0x1a: {  	s8 =	sadd.s32 $0xFFFFE003, lr  }
0x1b: {  	s9 =	sadd.s32 $0xFFFFFEF7, lr;
	s5 =	simm.s32 $0xFFFFFFFF;
	p2 =	slt.u32 s8, $0xFFFFF086  }
0x1c: {  	p1 =	slt.u32 s9, $0xF7A;
	s5 =	simm.s32 @!p2 $0x0  }
0x1d: {  	s5 =	simm.s32 @p1 $0x1;
	p0 =	seq.s32 s7, s2  }
0x1e: {  	s7 =	smul.u32 @!p0 $0xF7A, s2;
	p2 =	seq.s32 @!p0 s5, $0x0  }
0x1f: {  	s9 =	smul.u32 $0xF7A, s1;
	s8 =	simm.s32 @!p0 $0x1BF5;
	p2 =	por !p2, p0  }
0x20: {  	[sflag:s8] =	ssyncset.s32 @!p0 $0xFFFFF086;
	s6 =	sadd.s32 @!p0 s3, s7;
	s7 =	simm.s32 @!p0 $0x108  }
0x21: {  	s3 =	sadd.s32 s3, s9;
	s6 =	sadd.s32 @!p0 $0x88, s6;
	s7 =	simm.s32 @p2 $0x1082  }
0x22: {  	[simem:s7], [sflag:s8] =	dma.local @!p0 [hbm:s6], $0xF7A  }
0x23: {  	s9 =	sor.u32 $0xD0000000, s2;
	s6 =	simm.s32 $0x108;
	_ =	swait.ge @!p0 [sflag:s8], $0x0  }
0x24: {  	s3 =	sadd.s32 $0x88, s3;
	s6 =	simm.s32 @!p1 $0x1082;
	[sflag:s4] =	ssyncset.s32 $0xFFFFF086  }
0x25: {  	[simem:s6], [sflag:s4] =	dma.local [hbm:s3], $0xF7A  }
0x26: {  	[smem:$0x3F64] =	sst s1;
	(tag) =	ssettag s2;
	_ =	strace s9  }
0x27: {  	s1 =	sld [smem:$0x3F74]  }
0x28: {  	s2 =	sld [smem:$0x3F75]  }
0x29: {  	s4 =	sld [smem:$0x3F77]  }
0x2a: {  	p0 =	seq.s32 s5, $0x0;
	s5 =	sld [smem:$0x3F78]  }
0x2b: {  	s6 =	sld [smem:$0x3F79]  }
0x2c: {  	s7 =	sld [smem:$0x3F7A]  }
0x2d: {  	s3 =	simm.s32 $0x108;
	s8 =	sld [smem:$0x3F7B]  }
0x2e: {  	s3 =	simm.s32 @!p0 $0x1082;
	s9 =	sld [smem:$0x3F7C]  }
0x2f: {  	lr =	sadd.s32 s0, s3;
	s0 =	sld [smem:$0x3F73]  }
0x30: {  	s3 =	sld [smem:$0x3F76]  }
0x31: {  	[smem:$0x3F7F] =	sst s10  }
0x32: {  	s10 =	sld [smem:$0x3F7D];
	_ =	sdelay $0x3  }
0x33: {  	p0 =	seq.s32 s10, $0x1;
	s10 =	sld [smem:$0x3F7F];
	_ =	sdelay $0x3  }
0x34: {  	[smem:$0x3F7F] =	sst s10  }
0x35: {  	s10 =	sld [smem:$0x3F7E];
	_ =	sdelay $0x3  }
0x36: {  	p1 =	seq.s32 s10, $0x1;
	s10 =	sld [smem:$0x3F7F];
	_ =	sdelay $0x3  }
0x37: {  	[smem:$0x3F7F] =	sst s10  }
0x38: {  	s10 =	sld [smem:$0x3F80]  }
0x39: {  	_ = 	snop;
	(pc) =	sbr.ind lr, $3  }
0x3a: {  	_ = 	snop  }
0x3b: {  	_ = 	snop  }
0x3c: {  	p2 =	seq.s32 s10, $0x1;
	s10 =	sld [smem:$0x3F7F]  }
0x3d: {  	_ =	shalt  }
0x3e: {  	_ =	shalt  }
0x3f: {  	_ =	shalt  }
0x40: {  	_ =	shalt  }
0x41: {  	_ =	shalt  }
0x42: {  	_ =	shalt  }
0x43: {  	_ =	shalt  }
0x44: {  	_ =	shalt  }
0x45: {  	_ =	shalt  }
0x46: {  	_ =	shalt  }
0x47: {  	_ =	shalt  }
0x48: {  	_ =	shalt  }
0x49: {  	_ =	shalt  }
0x4a: {  	_ =	shalt  }
0x4b: {  	_ =	shalt  }
0x4c: {  	_ =	shalt  }
0x4d: {  	_ =	shalt  }
0x4e: {  	_ =	shalt  }
0x4f: {  	_ =	shalt  }
0x50: {  	_ =	shalt  }
0x51: {  	_ =	shalt  }
0x52: {  	_ =	shalt  }
0x53: {  	_ =	shalt  }
0x54: {  	_ =	shalt  }
0x55: {  	_ =	shalt  }
0x56: {  	_ =	shalt  }
0x57: {  	_ =	shalt  }
0x58: {  	_ =	shalt  }
0x59: {  	_ =	shalt  }
0x5a: {  	_ =	shalt  }
0x5b: {  	_ =	shalt  }
0x5c: {  	_ =	shalt  }
0x5d: {  	_ =	shalt  }
0x5e: {  	_ =	shalt  }
0x5f: {  	_ =	shalt  }
0x60: {  	_ =	shalt  }
0x61: {  	_ =	shalt  }
0x62: {  	_ =	shalt  }
0x63: {  	_ =	shalt  }
0x64: {  	_ =	shalt  }
0x65: {  	_ =	shalt  }
0x66: {  	_ =	shalt  }
0x67: {  	_ =	shalt  }
0x68: {  	_ =	shalt  }
0x69: {  	_ =	shalt  }
0x6a: {  	_ =	shalt  }
0x6b: {  	_ =	shalt  }
0x6c: {  	_ =	shalt  }
0x6d: {  	_ =	shalt  }
0x6e: {  	_ =	shalt  }
0x6f: {  	_ =	shalt  }
0x70: {  	_ =	shalt  }
0x71: {  	_ =	shalt  }
0x72: {  	_ =	shalt  }
0x73: {  	_ =	shalt  }
0x74: {  	_ =	shalt  }
0x75: {  	_ =	shalt  }
0x76: {  	_ =	shalt  }
0x77: {  	_ =	shalt  }
0x78: {  	_ =	shalt  }
0x79: {  	_ =	shalt  }
0x7a: {  	_ =	shalt  }
0x7b: {  	_ =	shalt  }
0x7c: {  	_ =	shalt  }
0x7d: {  	_ =	shalt  }
0x7e: {  	_ =	shalt  }
0x7f: {  	_ =	shalt  }
0x80: {  	_ =	shalt  }
0x81: {  	_ =	shalt  }
0x82: {  	_ =	shalt  }
0x83: {  	_ =	shalt  }
0x84: {  	_ =	shalt  }
0x85: {  	_ =	shalt  }
0x86: {  	_ =	shalt  }
0x87: {  	_ =	shalt  }
.Lfunc_end0:
.L_simem_size_0:
called_computation.1_lowered:
.L_overlay_start_0:
0x88: {  	s2 =	sld [smem:$0x3FD9]  }
0x89: {  	s3 =	sld [smem:$0x3FFE];
	_ =	sdelay $0x1  }
0x8a: {  	s1 =	srdreg.scid  }
0x8b: {  	s0 =	sand.u32 $0x1, s1  }
0x8c: {  	s16 =	sshll.u32 s0, $0xA;
	s2 =	sadd.s32 s3, s2  }
0x8d: {  	s2 =	sadd.s32 s2, s16  }
0x8e: {  	[smem:$0x3F8B] =	sst s2  }
0x8f: {  	_ = 	snop  }
0x90: {  	(tm) =	ssettm $0x1  }
0x91: {  	s17 =	sld [smem:$0x3FFB];
	_ =	sdelay $0x3  }
0x92: {  	_ =	strace s17  }
0x93: {  	s2 =	sld [smem:$0x3FFC];
	_ =	sdelay $0x3  }
0x94: {  	_ =	strace s2  }
0x95: {  	s2 =	sld [smem:$0x3FFD];
	_ =	sdelay $0x3  }
0x96: {  	_ =	strace s2  }
0x97: {  	_ =	strace $0x8FFFFFFF  }
0x98: {  	s18 =	sld [smem:$0x3FDB];
	_ =	sdelay $0x1  }
0x99: {  	s19 =	simm.s32 $_scs_section_size  }
0x9a: {  	s4 =	simm.s32 $_size__tile_overlayer_lowered;
	s5 =	simm.s32 $_tile_overlayer_lowered  }
0x9b: {  	s22 =	simm.s32 $0x1BFF;
	s21 =	sshll.u32 s5, $0x1;
	s2 =	sadd.s32 s19, s18  }
0x9c: {  	s6 =	simm.s32 $0x0;
	s20 =	sshll.u32 s4, $0x1;
	s4 =	sadd.s32 s21, s2  }
0x9d: {  	[timem:s6], [sflag:s22] =	dma.local [hbm:s4], s20  }
0x9e: {  	_ =	swait.ge [sflag:s22], s20  }
0x9f: {  	s3 =	ssub.s32 $0x0, s20;
	[sflag:s22] =	ssyncset.done $0x0  }
0xa0: {  	[sflag:s22] =	ssyncadd.s32 s3;
	_ =	sdelay $0x1  }
0xa1: {  	s23 =	simm.s32 $0x1B8B  }
0xa2: {  	_ =	swait.ge [sflag:s23], $0x1  }
0xa3: {  	[sflag:s23] =	ssyncset.done $0x0  }
0xa4: {  	s25 =	simm.s32 $0x1B8E;
	s24 =	sld [smem:$0x3FFE];
	[sflag:s23] =	ssyncadd.s32 $0xFFFFFFFF  }
0xa5: {  	s26 =	simm.s32 $execute0_lowered;
	[smem:$0x3FD2] =	sst s25  }
0xa6: {  	s4 =	sshll.u32 s26, $0x1;
	_ =	strace $0x80000049;
	[dreg:$0x1] =	wrdreg $0xFFFFFFFF  }
0xa7: {  	s28 =	simm.s32 $_size_execute0_lowered;
	s2 =	sadd.s32 s2, s4;
	[dreg:$0x0] =	wrdreg $0x0  }
0xa8: {  	s4 =	sshll.u32 s28, $0x1;
	[dreg:$0x2] =	wrdreg s2  }
0xa9: {  	[dreg:$0x3] =	wrdreg s4  }
0xaa: {  	[dreg:$0x4] =	wrdreg $0xC0  }
0xab: {  	_ =	task [dreg:s6], $0x5FFFF  }
0xac: {  	[dreg:$0x1] =	wrdreg $0xFFFFFFFF  }
0xad: {  	[dreg:$0x0] =	wrdreg $0x60  }
0xae: {  	[dreg:$0x2] =	wrdreg s24  }
0xaf: {  	[dreg:$0x3] =	wrdreg $0x65900  }
0xb0: {  	[dreg:$0x4] =	wrdreg $0x9  }
0xb1: {  	_ =	task.clear_ibuf [dreg:s6], $0x5FFFF;
	_ =	strace $0x90000049  }
0xb2: {  	s29 =	simm.s32 $0x9;
	_ =	strace $0x8000004B  }
0xb3: {  	_ =	swait.ge [sflag:s29], $0x1  }
0xb4: {  	[sflag:s29] =	ssyncadd.s32 $0xFFFFFFFF  }
0xb5: {  	_ =	strace $0x9000004B  }
0xb6: {  	_ =	sfence  }
0xb7: {  	s30 =	sld [smem:$0x0];
	_ =	sdelay $0x2  }
0xb8: {  	s31 =	sshll.u32 s1, $0xD;
	s1 =	sshrl.u32 s1, $0x2  }
0xb9: {  	s3 =	sand.u32 $0x4000, s31;
	s1 =	sadd.s32 s1, s30  }
0xba: {  	s0 =	sor.u32 s3, s0;
	s1 =	sshll.u32 s1, $0x11  }
0xbb: {  	s0 =	sor.u32 s1, s0  }
0xbc: {  	s0 =	sadd.s32 $0x8F2B, s0  }
0xbd: {  	[sflag:s0] =	ssyncadd.remote.s32 $0x1  }
0xbe: {  	_ =	sfence.sel $0xFFFF  }
0xbf: {  	[dreg:$0x0] =	wrdreg $0xFFFFFFFF;
	(pc) =	sbr.abs _section_cstart, $3  }
0xc0: {  	[dreg:$0x1] =	wrdreg $0xFFFFFFFF  }
0xc1: {  	_ =	task.clear_ibuf [dreg:s6], $0x2FFFF;
	_ =	strace $0x9FFFFFFF  }
0xc2: {  	(tm) =	ssettm $0x7FFFFFFF  }
0xc3: {  	_ =	shalt  }
tec
execute0_lowered:
.L_overlay_start_1:
0x0: {  	(tag) =	ssettag $0x1  }
0x1: {  	s4 =	rddreg [dreg:$0x0]  }
0x2: {  	s1 =	rddreg [dreg:$0x1];
	s13 =	stileid.u32  }
0x3: {  	s2 =	srdreg.scid;
	s7 =	smul.u32 $0x186C0, s13  }
0x4: {  	s0 =	rddreg [dreg:$0x2];
	s11 =	smul.u32 $0x30D0, s13  }
0x5: {  	s5 =	sand.u32 $0x1, s2;
	s2 =	simm.s32 $0x0;
	s14 =	smul.u32 $0x61A00, s13  }
0x6: {  	s3 =	sadd.s32 $0xE5D800, s4;
	s12 =	sadd.s32 $0x56C00, s4;
	s6 =	smul.u32 $0x19000, s5  }
0x7: {  	s15 =	sshll.u32 s13, $0x6;
	p0 =	sne.s32 s13, $0x0;
	s8 =	smul.u32 $0x30D40, s5  }
0x8: {  	p1 =	sne.s32 s13, $0xF;
	[smem:$0x7FF] =	sst s2;
	s16 =	smul.u32 $0x186A00, s5  }
0x9: {  	s10 =	ssub.s32 $0x2, s5;
	s5 =	sor.u32 $0x1C01, s15;
	s15 =	sadd.s32 $0x186800, s1  }
0xa: {  	_ =	strace $0x8000004A;
	s25 =	sshrl.u32 s7, $0x3;
	s26 =	sshrl.u32 s10, $0x1  }
0xb: {  	s17 =	sadd.s32 s7, s1;
	s29 =	sshrl.u32 s14, $0x2;
	s9 =	sadd.s32 s6, s4  }
0xc: {  	s6 =	sadd.s32 s25, s4;
	s10 =	ssub.s32 s10, s26;
	s28 =	sadd.s32 s11, s8  }
.Ltmp0:
0xd: {  	s30 =	sshrl.u32 s16, $0x3;
	s14 =	sadd.s32 s29, s1;
	(pc) =	sbr.rel .LBB2_1-.Ltmp0, $4  }
0xe: {  	s11 =	simm.s32 $0x1;
	s4 =	sadd.s32 $0xD1800, s6;
	s6 =	sadd.s32 s12, s28  }
0xf: {  	s31 =	sadd.s32 s12, s30;
	s8 =	smax.u32 s10, $0x1;
	s9 =	sadd.s32 $0xBC00, s9  }
0x10: {  	s10 =	sshrl.u32 s17, $0x3;
	s12 =	simm.s32 $0x190;
	s13 =	sshrl.u32 s14, $0x3  }
0x11: {  	s14 =	sshrl.u32 @!p1 s15, $0x3;
	s15 =	simm.s32 $0x0;
	s7 =	sadd.s32 $0x30D00, s31  }
.LBB2_5:
0x12: {  	[bflag:$0x0] =	sbarrier.arrive $0xFFFF  }
0x13: {  	[hbm:s6], [sflag:s5] =	dma.local [spmem:s13], $0x30D0  }
0x14: {  	s15 =	sadd.s32 $0x1, s15;
	_ =	swait.ge [sflag:s11], $0x30D0  }
0x15: {  	p2 =	sne.s32 s15, s8;
	[sflag:s11] =	ssyncset.done $0x0  }
.Ltmp1:
0x16: {  	s16 =	simm.s32 @!p1 $0x1;
	[sflag:s11] =	ssyncadd.s32 $0xFFFFCF30;
	(pc) =	sbr.rel @!p2 .LBB2_6-.Ltmp1, $4  }
0x17: {  	[hbm:s7], [sflag:s5] =	dma.local @!p1 [spmem:s14], $0x40  }
0x18: {  	_ =	swait.ge @!p1 [sflag:s16], $0x40  }
0x19: {  	[sflag:s16] =	ssyncset.done @!p1 $0x0  }
0x1a: {  	[sflag:s16] =	ssyncadd.s32 @!p1 $0xFFFFFFC0  }
.LBB2_1:
0x1b: {  	[spmem:s10], [sflag:s5] =	dma.local [hbm:s4], $0x30D8  }
.Ltmp2:
0x1c: {  	_ =	swait.ge [sflag:s11], $0x30D8;
	(pc) =	sbr.rel @p0 .LBB2_5-.Ltmp2, $3  }
0x1d: {  	[sflag:s11] =	ssyncset.done $0x0  }
0x1e: {  	[sflag:s11] =	ssyncadd.s32 $0xFFFFCF28  }
0x1f: {  	[bflag:$0x0] =	sbarrier.arrive $0xFFFF;
	_ =	sdelay $0x1  }
0x20: {  	s16 =	sadd.s32 $0x0, s9  }
0x21: {  	[tilespmem:s2], [sflag:$0x1] =	stream.linear.gather [hbm4b:s16+s2], $0x190, $0x38;
	[tilespmem:$0x1EC50] =	vst v63  }
0x22: {  	_ =	swait.ge [sflag:s11], $0x190  }
0x23: {  	[sflag:s11] =	ssyncset.done $0x0  }
0x24: {  	[sflag:s11] =	ssyncadd.s32 $0xFFFFFE70  }
0x25: {  	[tilespmem:s12], [sflag:$0x1] =	stream.linear.gather [hbm4b:s3+s2], $0x6400, $0x38;
	[tilespmem:$0x1EC50] =	vst v63  }
0x26: {  	_ =	swait.ge [sflag:s11], $0x6400  }
0x27: {  	[sflag:s11] =	ssyncset.done $0x0  }
0x28: {  	[sflag:s11] =	ssyncadd.s32 $0xFFFF9C00  }
0x29: {  	[spmem:s1] =	stream.indirect.scatter.add.f32 [tilespmem:s12], [sflag:$0x1], $0x40, s2, s12, $0xb8;
	[tilespmem:$0x1EC50] =	vst v63  }
0x2a: {  	s17 =	simm.s32 $0x32;
	_ =	swait.ge [sflag:s11], $0x6400  }
0x2b: {  	s18 =	simm.s32 $0x64;
	s16 =	sadd.s32 $0xC80, s3;
	[sflag:s11] =	ssyncset.done $0x0  }
.LBB2_3:
0x2c: {  	s19 =	sadd.s32 s17, s9  }
0x2d: {  	[sflag:s11] =	ssyncadd.s32 $0xFFFF9C00;
	s17 =	smov.u32 s18;
	s20 =	sadd.s32 $0x32, s18  }
0x2e: {  	[tilespmem:s2], [sflag:$0x1] =	stream.linear.gather [hbm4b:s19+s2], $0x190, $0x38;
	[tilespmem:$0x1EC50] =	vst v63  }
0x2f: {  	p2 =	sne.s32 s18, $0x18FCE;
	_ =	swait.ge [sflag:s11], $0x190  }
0x30: {  	[sflag:s11] =	ssyncset.done $0x0  }
0x31: {  	[sflag:s11] =	ssyncadd.s32 $0xFFFFFE70  }
0x32: {  	[tilespmem:s12], [sflag:$0x1] =	stream.linear.gather [hbm4b:s16+s2], $0x6400, $0x38;
	[tilespmem:$0x1EC50] =	vst v63  }
0x33: {  	_ =	swait.ge [sflag:s11], $0x6400  }
.Ltmp3:
0x34: {  	[sflag:s11] =	ssyncset.done $0x0;
	(pc) =	sbr.rel @p2 .LBB2_3-.Ltmp3, $4  }
0x35: {  	[sflag:s11] =	ssyncadd.s32 $0xFFFF9C00  }
0x36: {  	[spmem:s1] =	stream.indirect.scatter.add.f32 [tilespmem:s12], [sflag:$0x1], $0x40, s2, s12, $0xb8;
	[tilespmem:$0x1EC50] =	vst v63  }
0x37: {  	_ =	swait.ge [sflag:s11], $0x6400  }
0x38: {  	s18 =	smov.u32 s20;
	s16 =	sadd.s32 $0xC80, s16;
	[sflag:s11] =	ssyncset.done $0x0  }
0x39: {  	s17 =	sadd.s32 s17, s9;
	[sflag:s11] =	ssyncadd.s32 $0xFFFF9C00  }
0x3a: {  	[tilespmem:s2], [sflag:$0x1] =	stream.linear.gather [hbm4b:s17+s2], $0x190, $0x38;
	[tilespmem:$0x1EC50] =	vst v63  }
0x3b: {  	_ =	swait.ge [sflag:s11], $0x190  }
0x3c: {  	[sflag:s11] =	ssyncset.done $0x0  }
0x3d: {  	[sflag:s11] =	ssyncadd.s32 $0xFFFFFE70  }
0x3e: {  	[tilespmem:s12], [sflag:$0x1] =	stream.linear.gather [hbm4b:s16+s2], $0x6400, $0x38;
	[tilespmem:$0x1EC50] =	vst v63  }
0x3f: {  	_ =	swait.ge [sflag:s11], $0x6400  }
0x40: {  	[sflag:s11] =	ssyncset.done $0x0  }
.Ltmp4:
0x41: {  	[sflag:s11] =	ssyncadd.s32 $0xFFFF9C00;
	(pc) =	sbr.rel .LBB2_5-.Ltmp4, $4  }
0x42: {  	[spmem:s1] =	stream.indirect.scatter.add.f32 [tilespmem:s12], [sflag:$0x1], $0x40, s2, s12, $0xb8;
	[tilespmem:$0x1EC50] =	vst v63  }
0x43: {  	_ =	swait.ge [sflag:s11], $0x6400  }
0x44: {  	[sflag:s11] =	ssyncset.done $0x0  }
0x45: {  	[sflag:s11] =	ssyncadd.s32 $0xFFFF9C00  }
.LBB2_6:
0x46: {  	_ =	sfence.sel $0x180000  }
0x47: {  	[bflag:$0x0] =	sbarrier.arrive $0xFFFF  }
0x48: {  	_ =	strace $0x9000004A  }
0x49: {  	s0 =	sadd.s32 @!p0 $0x100000, s0;
	[bflag:$0x2] =	sbarrier.arrive $0xFFFF  }
0x4a: {  	[sflag:s0] =	ssyncadd.tile.s32 @!p0 $0x1;
	_ =	shalt  }
.Lfunc_end2:
_tile_overlayer_lowered:
.L_overlay_start_2:
0x4b: {  	(tag) =	ssettag $0x2  }
0x4c: {  	s0 =	rddreg [dreg:$0x0];
	s2 =	stileid.u32  }
0x4d: {  	s1 =	rddreg [dreg:$0x1];
	p0 =	sne.s32 s2, $0x0  }
0x4e: {  	s3 =	rddreg [dreg:$0x2];
	[bflag:$0x3] =	sbarrier.arrive $0xFFFF;
	s2 =	simm.s32 @!p0 $0x1C01  }
0x4f: {  	[timem:s3], [sflag:s2] =	dma.local @!p0 [hbm:s0], s1  }
0x50: {  	s0 =	simm.s32 @!p0 $0x1  }
0x51: {  	_ =	swait.ge @!p0 [sflag:s0], s1  }
0x52: {  	s1 =	ssub.s32 @!p0 $0x0, s1;
	[sflag:s0] =	ssyncset.done @!p0 $0x0  }
0x53: {  	[sflag:s0] =	ssyncadd.s32 @!p0 s1  }
0x54: {  	[bflag:$0x3] =	sbarrier.arrive $0xFFFF  }
0x55: {  	_ =	shalt  }

// kernel: kernel.19.cloned.1.call-start
scs
__scs_entry_jumppad:
0x0: {  	(pc) =	sbr.rel $0x88, $3  }
0x1: {  	(tag) =	ssettag $0x0;
	lr =	simm.s32 $0x1  }
0x2: {  	[smem:$0x3F64] =	sst lr;
	_ =	strace $0xD0000000  }
0x3: {  	_ = 	snop  }
0x4: {  	_ = 	snop  }
0x5: {  	_ = 	snop  }
0x6: {  	_ = 	snop  }
0x7: {  	_ = 	snop  }
__scs_overlays_trampoline_lowered:
0x8: {  	[smem:$0x3F73] =	sst s0  }
0x9: {  	[smem:$0x3F74] =	sst s1  }
0xa: {  	[smem:$0x3F75] =	sst s2  }
0xb: {  	[smem:$0x3F76] =	sst s3  }
0xc: {  	[smem:$0x3F77] =	sst s4  }
0xd: {  	[smem:$0x3F78] =	sst s5  }
0xe: {  	[smem:$0x3F79] =	sst s6  }
0xf: {  	[smem:$0x3F7A] =	sst s7  }
0x10: {  	[smem:$0x3F7B] =	sst s8  }
0x11: {  	[smem:$0x3F7C] =	sst s9;
	s0 =	simm.s32 @!p0 $0x0  }
0x12: {  	s1 =	sld [smem:$0x3F62];
	s0 =	simm.s32 @p0 $0x1  }
0x13: {  	[smem:$0x3F7D] =	sst s0;
	s0 =	simm.s32 @!p1 $0x0  }
0x14: {  	s2 =	sld [smem:$0x3F61];
	s0 =	simm.s32 @p1 $0x1  }
0x15: {  	[smem:$0x3F7E] =	sst s0;
	s0 =	simm.s32 @!p2 $0x0  }
0x16: {  	s3 =	sld [smem:$0x3FDB];
	s0 =	simm.s32 @p2 $0x1  }
0x17: {  	s4 =	simm.s32 $0x1BF5;
	[smem:$0x3F80] =	sst s0  }
0x18: {  	s0 =	sld [smem:$0x3F63];
	_ =	swait.ge [sflag:s4], $0x0  }
0x19: {  	s7 =	sld [smem:$0x3F64]  }
0x1a: {  	s8 =	sadd.s32 $0xFFFFE003, lr  }
0x1b: {  	s9 =	sadd.s32 $0xFFFFFEF7, lr;
	s5 =	simm.s32 $0xFFFFFFFF;
	p2 =	slt.u32 s8, $0xFFFFF086  }
0x1c: {  	p1 =	slt.u32 s9, $0xF7A;
	s5 =	simm.s32 @!p2 $0x0  }
0x1d: {  	s5 =	simm.s32 @p1 $0x1;
	p0 =	seq.s32 s7, s2  }
0x1e: {  	s7 =	smul.u32 @!p0 $0xF7A, s2;
	p2 =	seq.s32 @!p0 s5, $0x0  }
0x1f: {  	s9 =	smul.u32 $0xF7A, s1;
	s8 =	simm.s32 @!p0 $0x1BF5;
	p2 =	por !p2, p0  }
0x20: {  	[sflag:s8] =	ssyncset.s32 @!p0 $0xFFFFF086;
	s6 =	sadd.s32 @!p0 s3, s7;
	s7 =	simm.s32 @!p0 $0x108  }
0x21: {  	s3 =	sadd.s32 s3, s9;
	s6 =	sadd.s32 @!p0 $0x88, s6;
	s7 =	simm.s32 @p2 $0x1082  }
0x22: {  	[simem:s7], [sflag:s8] =	dma.local @!p0 [hbm:s6], $0xF7A  }
0x23: {  	s9 =	sor.u32 $0xD0000000, s2;
	s6 =	simm.s32 $0x108;
	_ =	swait.ge @!p0 [sflag:s8], $0x0  }
0x24: {  	s3 =	sadd.s32 $0x88, s3;
	s6 =	simm.s32 @!p1 $0x1082;
	[sflag:s4] =	ssyncset.s32 $0xFFFFF086  }
0x25: {  	[simem:s6], [sflag:s4] =	dma.local [hbm:s3], $0xF7A  }
0x26: {  	[smem:$0x3F64] =	sst s1;
	(tag) =	ssettag s2;
	_ =	strace s9  }
0x27: {  	s1 =	sld [smem:$0x3F74]  }
0x28: {  	s2 =	sld [smem:$0x3F75]  }
0x29: {  	s4 =	sld [smem:$0x3F77]  }
0x2a: {  	p0 =	seq.s32 s5, $0x0;
	s5 =	sld [smem:$0x3F78]  }
0x2b: {  	s6 =	sld [smem:$0x3F79]  }
0x2c: {  	s7 =	sld [smem:$0x3F7A]  }
0x2d: {  	s3 =	simm.s32 $0x108;
	s8 =	sld [smem:$0x3F7B]  }
0x2e: {  	s3 =	simm.s32 @!p0 $0x1082;
	s9 =	sld [smem:$0x3F7C]  }
0x2f: {  	lr =	sadd.s32 s0, s3;
	s0 =	sld [smem:$0x3F73]  }
0x30: {  	s3 =	sld [smem:$0x3F76]  }
0x31: {  	[smem:$0x3F7F] =	sst s10  }
0x32: {  	s10 =	sld [smem:$0x3F7D];
	_ =	sdelay $0x3  }
0x33: {  	p0 =	seq.s32 s10, $0x1;
	s10 =	sld [smem:$0x3F7F];
	_ =	sdelay $0x3  }
0x34: {  	[smem:$0x3F7F] =	sst s10  }
0x35: {  	s10 =	sld [smem:$0x3F7E];
	_ =	sdelay $0x3  }
0x36: {  	p1 =	seq.s32 s10, $0x1;
	s10 =	sld [smem:$0x3F7F];
	_ =	sdelay $0x3  }
0x37: {  	[smem:$0x3F7F] =	sst s10  }
0x38: {  	s10 =	sld [smem:$0x3F80]  }
0x39: {  	_ = 	snop;
	(pc) =	sbr.ind lr, $3  }
0x3a: {  	_ = 	snop  }
0x3b: {  	_ = 	snop  }
0x3c: {  	p2 =	seq.s32 s10, $0x1;
	s10 =	sld [smem:$0x3F7F]  }
0x3d: {  	_ =	shalt  }
0x3e: {  	_ =	shalt  }
0x3f: {  	_ =	shalt  }
0x40: {  	_ =	shalt  }
0x41: {  	_ =	shalt  }
0x42: {  	_ =	shalt  }
0x43: {  	_ =	shalt  }
0x44: {  	_ =	shalt  }
0x45: {  	_ =	shalt  }
0x46: {  	_ =	shalt  }
0x47: {  	_ =	shalt  }
0x48: {  	_ =	shalt  }
0x49: {  	_ =	shalt  }
0x4a: {  	_ =	shalt  }
0x4b: {  	_ =	shalt  }
0x4c: {  	_ =	shalt  }
0x4d: {  	_ =	shalt  }
0x4e: {  	_ =	shalt  }
0x4f: {  	_ =	shalt  }
0x50: {  	_ =	shalt  }
0x51: {  	_ =	shalt  }
0x52: {  	_ =	shalt  }
0x53: {  	_ =	shalt  }
0x54: {  	_ =	shalt  }
0x55: {  	_ =	shalt  }
0x56: {  	_ =	shalt  }
0x57: {  	_ =	shalt  }
0x58: {  	_ =	shalt  }
0x59: {  	_ =	shalt  }
0x5a: {  	_ =	shalt  }
0x5b: {  	_ =	shalt  }
0x5c: {  	_ =	shalt  }
0x5d: {  	_ =	shalt  }
0x5e: {  	_ =	shalt  }
0x5f: {  	_ =	shalt  }
0x60: {  	_ =	shalt  }
0x61: {  	_ =	shalt  }
0x62: {  	_ =	shalt  }
0x63: {  	_ =	shalt  }
0x64: {  	_ =	shalt  }
0x65: {  	_ =	shalt  }
0x66: {  	_ =	shalt  }
0x67: {  	_ =	shalt  }
0x68: {  	_ =	shalt  }
0x69: {  	_ =	shalt  }
0x6a: {  	_ =	shalt  }
0x6b: {  	_ =	shalt  }
0x6c: {  	_ =	shalt  }
0x6d: {  	_ =	shalt  }
0x6e: {  	_ =	shalt  }
0x6f: {  	_ =	shalt  }
0x70: {  	_ =	shalt  }
0x71: {  	_ =	shalt  }
0x72: {  	_ =	shalt  }
0x73: {  	_ =	shalt  }
0x74: {  	_ =	shalt  }
0x75: {  	_ =	shalt  }
0x76: {  	_ =	shalt  }
0x77: {  	_ =	shalt  }
0x78: {  	_ =	shalt  }
0x79: {  	_ =	shalt  }
0x7a: {  	_ =	shalt  }
0x7b: {  	_ =	shalt  }
0x7c: {  	_ =	shalt  }
0x7d: {  	_ =	shalt  }
0x7e: {  	_ =	shalt  }
0x7f: {  	_ =	shalt  }
0x80: {  	_ =	shalt  }
0x81: {  	_ =	shalt  }
0x82: {  	_ =	shalt  }
0x83: {  	_ =	shalt  }
0x84: {  	_ =	shalt  }
0x85: {  	_ =	shalt  }
0x86: {  	_ =	shalt  }
0x87: {  	_ =	shalt  }
.Lfunc_end0:
.L_simem_size_0:
called_computation.2_lowered:
.L_overlay_start_0:
0x88: {  	s2 =	sld [smem:$0x3FD9]  }
0x89: {  	s3 =	sld [smem:$0x3FFE];
	_ =	sdelay $0x1  }
0x8a: {  	s1 =	srdreg.scid  }
0x8b: {  	s0 =	sand.u32 $0x1, s1  }
0x8c: {  	s16 =	sshll.u32 s0, $0xA;
	s2 =	sadd.s32 s3, s2  }
0x8d: {  	s2 =	sadd.s32 s2, s16  }
0x8e: {  	[smem:$0x3F8B] =	sst s2  }
0x8f: {  	_ = 	snop  }
0x90: {  	(tm) =	ssettm $0x1  }
0x91: {  	s17 =	sld [smem:$0x3FFB];
	_ =	sdelay $0x3  }
0x92: {  	_ =	strace s17  }
0x93: {  	s2 =	sld [smem:$0x3FFC];
	_ =	sdelay $0x3  }
0x94: {  	_ =	strace s2  }
0x95: {  	s2 =	sld [smem:$0x3FFD];
	_ =	sdelay $0x3  }
0x96: {  	_ =	strace s2  }
0x97: {  	_ =	strace $0x8FFFFFFF  }
0x98: {  	s18 =	sld [smem:$0x3FDB];
	_ =	sdelay $0x1  }
0x99: {  	s19 =	simm.s32 $_scs_section_size  }
0x9a: {  	s4 =	simm.s32 $_size__tile_overlayer_lowered;
	s5 =	simm.s32 $_tile_overlayer_lowered  }
0x9b: {  	s22 =	simm.s32 $0x1BFF;
	s21 =	sshll.u32 s5, $0x1;
	s2 =	sadd.s32 s19, s18  }
0x9c: {  	s6 =	simm.s32 $0x0;
	s20 =	sshll.u32 s4, $0x1;
	s4 =	sadd.s32 s21, s2  }
0x9d: {  	[timem:s6], [sflag:s22] =	dma.local [hbm:s4], s20  }
0x9e: {  	_ =	swait.ge [sflag:s22], s20  }
0x9f: {  	s3 =	ssub.s32 $0x0, s20;
	[sflag:s22] =	ssyncset.done $0x0  }
0xa0: {  	[sflag:s22] =	ssyncadd.s32 s3;
	_ =	sdelay $0x1  }
0xa1: {  	s23 =	simm.s32 $0x1B8B  }
0xa2: {  	_ =	swait.ge [sflag:s23], $0x1  }
0xa3: {  	[sflag:s23] =	ssyncset.done $0x0  }
0xa4: {  	s25 =	simm.s32 $0x1B8E;
	s24 =	sld [smem:$0x3FFE];
	[sflag:s23] =	ssyncadd.s32 $0xFFFFFFFF  }
0xa5: {  	s26 =	simm.s32 $execute0_lowered;
	[smem:$0x3FD2] =	sst s25  }
0xa6: {  	s4 =	sshll.u32 s26, $0x1;
	_ =	strace $0x8000004C;
	[dreg:$0x1] =	wrdreg $0xFFFFFFFF  }
0xa7: {  	s28 =	simm.s32 $_size_execute0_lowered;
	s2 =	sadd.s32 s2, s4;
	[dreg:$0x0] =	wrdreg $0x0  }
0xa8: {  	s4 =	sshll.u32 s28, $0x1;
	[dreg:$0x2] =	wrdreg s2  }
0xa9: {  	[dreg:$0x3] =	wrdreg s4  }
0xaa: {  	[dreg:$0x4] =	wrdreg $0xC0  }
0xab: {  	_ =	task [dreg:s6], $0x5FFFF  }
0xac: {  	[dreg:$0x1] =	wrdreg $0xFFFFFFFF  }
0xad: {  	[dreg:$0x0] =	wrdreg $0x60  }
0xae: {  	[dreg:$0x2] =	wrdreg s24  }
0xaf: {  	[dreg:$0x3] =	wrdreg $0x9  }
0xb0: {  	_ =	task.clear_ibuf [dreg:s6], $0x4FFFF;
	_ =	strace $0x9000004C  }
0xb1: {  	s29 =	simm.s32 $0x9;
	_ =	strace $0x8000004E  }
0xb2: {  	_ =	swait.ge [sflag:s29], $0x1  }
0xb3: {  	[sflag:s29] =	ssyncadd.s32 $0xFFFFFFFF  }
0xb4: {  	_ =	strace $0x9000004E  }
0xb5: {  	_ =	sfence  }
0xb6: {  	s30 =	sld [smem:$0x0];
	_ =	sdelay $0x2  }
0xb7: {  	s31 =	sshll.u32 s1, $0xD;
	s1 =	sshrl.u32 s1, $0x2  }
0xb8: {  	s3 =	sand.u32 $0x4000, s31;
	s1 =	sadd.s32 s1, s30  }
0xb9: {  	s0 =	sor.u32 s3, s0;
	s1 =	sshll.u32 s1, $0x11  }
0xba: {  	s0 =	sor.u32 s1, s0  }
0xbb: {  	s0 =	sadd.s32 $0x8F2B, s0  }
0xbc: {  	[sflag:s0] =	ssyncadd.remote.s32 $0x1  }
0xbd: {  	_ =	sfence.sel $0xFFFF  }
0xbe: {  	[dreg:$0x0] =	wrdreg $0xFFFFFFFF;
	(pc) =	sbr.abs _section_cstart, $3  }
0xbf: {  	[dreg:$0x1] =	wrdreg $0xFFFFFFFF  }
0xc0: {  	_ =	task.clear_ibuf [dreg:s6], $0x2FFFF;
	_ =	strace $0x9FFFFFFF  }
0xc1: {  	(tm) =	ssettm $0x7FFFFFFF  }
tec
execute0_lowered:
.L_overlay_start_1:
0x0: {  	(tag) =	ssettag $0x1  }
0x1: {  	s4 =	rddreg [dreg:$0x0]  }
0x2: {  	s0 =	rddreg [dreg:$0x1]  }
0x3: {  	s2 =	simm.s32 $0x0;
	s1 =	stileid.u32;
	s3 =	srdreg.scid  }
0x4: {  	s12 =	simm.s32 $0x6720;
	s13 =	simm.s32 $0x1;
	s14 =	simm.s32 $0x2  }
0x5: {  	s15 =	simm.s32 $0x0;
	[smem:$0x7FF] =	sst s2;
	s5 =	smul.u32 $0x64, s1  }
0x6: {  	s6 =	sand.u32 $0x1, s3;
	s7 =	smul.u32 $0x1900, s1;
	s3 =	sadd.s32 $0x56C00, s4  }
0x7: {  	_ =	strace $0x8000004D;
	s8 =	ssub.s32 $0x2, s6;
	s10 =	smul.u32 $0xC80, s6  }
0x8: {  	s29 =	smul.u32 $0x32, s6;
	s9 =	sshrl.u32 s8, $0x1;
	s7 =	sadd.s32 s7, s4  }
0x9: {  	s11 =	sadd.s32 s5, s4;
	s8 =	ssub.s32 s8, s9;
	s30 =	sadd.s32 s10, s7  }
0xa: {  	s31 =	sadd.s32 s29, s11;
	s9 =	simm.s32 $0x3;
	s10 =	simm.s32 $0x190  }
0xb: {  	s11 =	simm.s32 $0x320;
	s4 =	smax.u32 s8, $0x1;
	s5 =	sadd.s32 $0x9A4400, s30  }
0xc: {  	s6 =	sadd.s32 $0x364400, s30;
	s7 =	sadd.s32 $0xB8800, s31;
	s8 =	sadd.s32 $0x3DC00, s31  }
.LBB2_1:
0xd: {  	s16 =	sadd.s32 $0x0, s7  }
0xe: {  	[tilespmem:s2], [sflag:$0x3] =	stream.linear.gather [hbm4b:s16+s2], $0x190, $0x38;
	[tilespmem:$0xCB20] =	vst v63  }
0xf: {  	_ =	swait.ge [sflag:s9], $0x190  }
0x10: {  	[sflag:s9] =	ssyncset.done $0x0  }
0x11: {  	s31 =	sadd.s32 $0x0, s8;
	[sflag:s9] =	ssyncadd.s32 $0xFFFFFE70  }
0x12: {  	[tilespmem:s10], [sflag:$0x3] =	stream.linear.gather [hbm4b:s31+s2], $0x190, $0x38;
	[tilespmem:$0xCB20] =	vst v63  }
0x13: {  	_ =	swait.ge [sflag:s9], $0x190  }
0x14: {  	[sflag:s9] =	ssyncset.done $0x0  }
0x15: {  	[sflag:s9] =	ssyncadd.s32 $0xFFFFFE70  }
0x16: {  	[tilespmem:s11], [sflag:$0x1] =	stream.indirect.gather [hbm4b:s3+s10], $0x40, s2, s10, $0xb8;
	[tilespmem:$0xCB20] =	vst v63  }
0x17: {  	_ = 	snop  }
0x18: {  	[tilespmem:s12], [sflag:$0x2] =	stream.indirect.gather [hbm4b:s3+s10], $0x40, s10, s10, $0xb8;
	[tilespmem:$0xCB20] =	vst v63  }
0x19: {  	_ =	swait.ge [sflag:s13], $0x6400  }
0x1a: {  	[sflag:s13] =	ssyncset.done $0x0  }
0x1b: {  	[sflag:s13] =	ssyncadd.s32 $0xFFFF9C00  }
0x1c: {  	_ =	swait.ge [sflag:s14], $0x6400  }
0x1d: {  	[sflag:s14] =	ssyncset.done $0x0  }
0x1e: {  	[sflag:s14] =	ssyncadd.s32 $0xFFFF9C00  }
0x1f: {  	[hbm4b:s5+s2] =	stream.linear.scatter [tilespmem:s11], [sflag:$0x3], $0x6400, $0x38;
	[tilespmem:$0xCB20] =	vst v63  }
0x20: {  	_ =	swait.ge [sflag:s9], $0x6400  }
0x21: {  	[sflag:s9] =	ssyncset.done $0x0  }
0x22: {  	[sflag:s9] =	ssyncadd.s32 $0xFFFF9C00  }
0x23: {  	[hbm4b:s6+s2] =	stream.linear.scatter [tilespmem:s12], [sflag:$0x3], $0x6400, $0x38;
	[tilespmem:$0xCB20] =	vst v63  }
0x24: {  	s18 =	simm.s32 $0x640;
	s19 =	simm.s32 $0xC80;
	_ =	swait.ge [sflag:s9], $0x6400  }
0x25: {  	s17 =	sadd.s32 $0x19000, s5;
	s16 =	sadd.s32 $0x19000, s6;
	[sflag:s9] =	ssyncset.done $0x0  }
.LBB2_2:
0x26: {  	s20 =	sadd.s32 s18, s7  }
0x27: {  	[sflag:s9] =	ssyncadd.s32 $0xFFFF9C00;
	s21 =	smov.u32 s19;
	s22 =	sadd.s32 $0x640, s19  }
0x28: {  	[tilespmem:s2], [sflag:$0x3] =	stream.linear.gather [hbm4b:s20+s2], $0x190, $0x38;
	[tilespmem:$0xCB20] =	vst v63  }
0x29: {  	p0 =	sne.s32 s19, $0x189C0;
	_ =	swait.ge [sflag:s9], $0x190  }
0x2a: {  	[sflag:s9] =	ssyncset.done $0x0  }
0x2b: {  	s19 =	sadd.s32 s18, s8;
	s18 =	smov.u32 s21;
	[sflag:s9] =	ssyncadd.s32 $0xFFFFFE70  }
0x2c: {  	[tilespmem:s10], [sflag:$0x3] =	stream.linear.gather [hbm4b:s19+s2], $0x190, $0x38;
	[tilespmem:$0xCB20] =	vst v63  }
0x2d: {  	_ =	swait.ge [sflag:s9], $0x190  }
0x2e: {  	[sflag:s9] =	ssyncset.done $0x0  }
0x2f: {  	[sflag:s9] =	ssyncadd.s32 $0xFFFFFE70  }
0x30: {  	[tilespmem:s11], [sflag:$0x1] =	stream.indirect.gather [hbm4b:s3+s10], $0x40, s2, s10, $0xb8;
	[tilespmem:$0xCB20] =	vst v63  }
0x31: {  	_ = 	snop  }
0x32: {  	[tilespmem:s12], [sflag:$0x2] =	stream.indirect.gather [hbm4b:s3+s10], $0x40, s10, s10, $0xb8;
	[tilespmem:$0xCB20] =	vst v63  }
0x33: {  	_ =	swait.ge [sflag:s13], $0x6400  }
0x34: {  	[sflag:s13] =	ssyncset.done $0x0  }
0x35: {  	[sflag:s13] =	ssyncadd.s32 $0xFFFF9C00  }
0x36: {  	_ =	swait.ge [sflag:s14], $0x6400  }
0x37: {  	[sflag:s14] =	ssyncset.done $0x0  }
0x38: {  	[sflag:s14] =	ssyncadd.s32 $0xFFFF9C00  }
0x39: {  	[hbm4b:s17+s2] =	stream.linear.scatter [tilespmem:s11], [sflag:$0x3], $0x6400, $0x38;
	[tilespmem:$0xCB20] =	vst v63  }
0x3a: {  	_ =	swait.ge [sflag:s9], $0x6400  }
.Ltmp0:
0x3b: {  	[sflag:s9] =	ssyncset.done $0x0;
	(pc) =	sbr.rel @p0 .LBB2_2-.Ltmp0, $4  }
0x3c: {  	[sflag:s9] =	ssyncadd.s32 $0xFFFF9C00  }
0x3d: {  	[hbm4b:s16+s2] =	stream.linear.scatter [tilespmem:s12], [sflag:$0x3], $0x6400, $0x38;
	[tilespmem:$0xCB20] =	vst v63  }
0x3e: {  	s19 =	smov.u32 s22;
	_ =	swait.ge [sflag:s9], $0x6400  }
0x3f: {  	s17 =	sadd.s32 $0x19000, s17;
	s16 =	sadd.s32 $0x19000, s16;
	[sflag:s9] =	ssyncset.done $0x0  }
0x40: {  	s19 =	sadd.s32 s18, s7;
	[sflag:s9] =	ssyncadd.s32 $0xFFFF9C00  }
0x41: {  	[tilespmem:s2], [sflag:$0x3] =	stream.linear.gather [hbm4b:s19+s2], $0x190, $0x38;
	[tilespmem:$0xCB20] =	vst v63  }
0x42: {  	_ =	swait.ge [sflag:s9], $0x190  }
0x43: {  	[sflag:s9] =	ssyncset.done $0x0  }
0x44: {  	s31 =	sadd.s32 s18, s8;
	[sflag:s9] =	ssyncadd.s32 $0xFFFFFE70  }
0x45: {  	[tilespmem:s10], [sflag:$0x3] =	stream.linear.gather [hbm4b:s31+s2], $0x190, $0x38;
	[tilespmem:$0xCB20] =	vst v63  }
0x46: {  	_ =	swait.ge [sflag:s9], $0x190  }
0x47: {  	[sflag:s9] =	ssyncset.done $0x0  }
0x48: {  	[sflag:s9] =	ssyncadd.s32 $0xFFFFFE70  }
0x49: {  	[tilespmem:s11], [sflag:$0x1] =	stream.indirect.gather [hbm4b:s3+s10], $0x40, s2, s10, $0xb8;
	[tilespmem:$0xCB20] =	vst v63  }
0x4a: {  	_ = 	snop  }
0x4b: {  	[tilespmem:s12], [sflag:$0x2] =	stream.indirect.gather [hbm4b:s3+s10], $0x40, s10, s10, $0xb8;
	[tilespmem:$0xCB20] =	vst v63  }
0x4c: {  	_ =	swait.ge [sflag:s13], $0x6400  }
0x4d: {  	[sflag:s13] =	ssyncset.done $0x0  }
0x4e: {  	[sflag:s13] =	ssyncadd.s32 $0xFFFF9C00  }
0x4f: {  	_ =	swait.ge [sflag:s14], $0x6400  }
0x50: {  	[sflag:s14] =	ssyncset.done $0x0  }
0x51: {  	[sflag:s14] =	ssyncadd.s32 $0xFFFF9C00  }
0x52: {  	[hbm4b:s17+s2] =	stream.linear.scatter [tilespmem:s11], [sflag:$0x3], $0x6400, $0x38;
	[tilespmem:$0xCB20] =	vst v63  }
0x53: {  	s15 =	sadd.s32 $0x1, s15;
	_ =	swait.ge [sflag:s9], $0x6400  }
0x54: {  	p0 =	sne.s32 s15, s4;
	[sflag:s9] =	ssyncset.done $0x0  }
.Ltmp1:
0x55: {  	[sflag:s9] =	ssyncadd.s32 $0xFFFF9C00;
	(pc) =	sbr.rel @p0 .LBB2_1-.Ltmp1, $4  }
0x56: {  	[hbm4b:s16+s2] =	stream.linear.scatter [tilespmem:s12], [sflag:$0x3], $0x6400, $0x38;
	[tilespmem:$0xCB20] =	vst v63  }
0x57: {  	_ =	swait.ge [sflag:s9], $0x6400  }
0x58: {  	[sflag:s9] =	ssyncset.done $0x0  }
0x59: {  	[sflag:s9] =	ssyncadd.s32 $0xFFFF9C00  }
0x5a: {  	_ =	sfence.sel $0x180000  }
0x5b: {  	[bflag:$0x0] =	sbarrier.arrive $0xFFFF  }
0x5c: {  	p0 =	sne.s32 s1, $0x0;
	_ =	strace $0x9000004D  }
0x5d: {  	s0 =	sadd.s32 @!p0 $0x100000, s0;
	[bflag:$0x2] =	sbarrier.arrive $0xFFFF  }
0x5e: {  	[sflag:s0] =	ssyncadd.tile.s32 @!p0 $0x1;
	_ =	shalt  }
.Lfunc_end2:
_tile_overlayer_lowered:
.L_overlay_start_2:
0x5f: {  	(tag) =	ssettag $0x2  }
0x60: {  	s0 =	rddreg [dreg:$0x0];
	s2 =	stileid.u32  }
0x61: {  	s1 =	rddreg [dreg:$0x1];
	p0 =	sne.s32 s2, $0x0  }
0x62: {  	s3 =	rddreg [dreg:$0x2];
	[bflag:$0x3] =	sbarrier.arrive $0xFFFF;
	s2 =	simm.s32 @!p0 $0x1C03  }
0x63: {  	[timem:s3], [sflag:s2] =	dma.local @!p0 [hbm:s0], s1  }
0x64: {  	s0 =	simm.s32 @!p0 $0x3  }
0x65: {  	_ =	swait.ge @!p0 [sflag:s0], s1  }
0x66: {  	s1 =	ssub.s32 @!p0 $0x0, s1;
	[sflag:s0] =	ssyncset.done @!p0 $0x0  }
0x67: {  	[sflag:s0] =	ssyncadd.s32 @!p0 s1  }
0x68: {  	[bflag:$0x3] =	sbarrier.arrive $0xFFFF  }
0x69: {  	_ =	shalt  }

// kernel: kernel.22.cloned.1.call-start
scs
__scs_entry_jumppad:
0x0: {  	(pc) =	sbr.rel $0x88, $3  }
0x1: {  	(tag) =	ssettag $0x0;
	lr =	simm.s32 $0x1  }
0x2: {  	[smem:$0x3F64] =	sst lr;
	_ =	strace $0xD0000000  }
0x3: {  	_ = 	snop  }
0x4: {  	_ = 	snop  }
0x5: {  	_ = 	snop  }
0x6: {  	_ = 	snop  }
0x7: {  	_ = 	snop  }
__scs_overlays_trampoline_lowered:
0x8: {  	[smem:$0x3F73] =	sst s0  }
0x9: {  	[smem:$0x3F74] =	sst s1  }
0xa: {  	[smem:$0x3F75] =	sst s2  }
0xb: {  	[smem:$0x3F76] =	sst s3  }
0xc: {  	[smem:$0x3F77] =	sst s4  }
0xd: {  	[smem:$0x3F78] =	sst s5  }
0xe: {  	[smem:$0x3F79] =	sst s6  }
0xf: {  	[smem:$0x3F7A] =	sst s7  }
0x10: {  	[smem:$0x3F7B] =	sst s8  }
0x11: {  	[smem:$0x3F7C] =	sst s9;
	s0 =	simm.s32 @!p0 $0x0  }
0x12: {  	s1 =	sld [smem:$0x3F62];
	s0 =	simm.s32 @p0 $0x1  }
0x13: {  	[smem:$0x3F7D] =	sst s0;
	s0 =	simm.s32 @!p1 $0x0  }
0x14: {  	s2 =	sld [smem:$0x3F61];
	s0 =	simm.s32 @p1 $0x1  }
0x15: {  	[smem:$0x3F7E] =	sst s0;
	s0 =	simm.s32 @!p2 $0x0  }
0x16: {  	s3 =	sld [smem:$0x3FDB];
	s0 =	simm.s32 @p2 $0x1  }
0x17: {  	s4 =	simm.s32 $0x1BF5;
	[smem:$0x3F80] =	sst s0  }
0x18: {  	s0 =	sld [smem:$0x3F63];
	_ =	swait.ge [sflag:s4], $0x0  }
0x19: {  	s7 =	sld [smem:$0x3F64]  }
0x1a: {  	s8 =	sadd.s32 $0xFFFFE003, lr  }
0x1b: {  	s9 =	sadd.s32 $0xFFFFFEF7, lr;
	s5 =	simm.s32 $0xFFFFFFFF;
	p2 =	slt.u32 s8, $0xFFFFF086  }
0x1c: {  	p1 =	slt.u32 s9, $0xF7A;
	s5 =	simm.s32 @!p2 $0x0  }
0x1d: {  	s5 =	simm.s32 @p1 $0x1;
	p0 =	seq.s32 s7, s2  }
0x1e: {  	s7 =	smul.u32 @!p0 $0xF7A, s2;
	p2 =	seq.s32 @!p0 s5, $0x0  }
0x1f: {  	s9 =	smul.u32 $0xF7A, s1;
	s8 =	simm.s32 @!p0 $0x1BF5;
	p2 =	por !p2, p0  }
0x20: {  	[sflag:s8] =	ssyncset.s32 @!p0 $0xFFFFF086;
	s6 =	sadd.s32 @!p0 s3, s7;
	s7 =	simm.s32 @!p0 $0x108  }
0x21: {  	s3 =	sadd.s32 s3, s9;
	s6 =	sadd.s32 @!p0 $0x88, s6;
	s7 =	simm.s32 @p2 $0x1082  }
0x22: {  	[simem:s7], [sflag:s8] =	dma.local @!p0 [hbm:s6], $0xF7A  }
0x23: {  	s9 =	sor.u32 $0xD0000000, s2;
	s6 =	simm.s32 $0x108;
	_ =	swait.ge @!p0 [sflag:s8], $0x0  }
0x24: {  	s3 =	sadd.s32 $0x88, s3;
	s6 =	simm.s32 @!p1 $0x1082;
	[sflag:s4] =	ssyncset.s32 $0xFFFFF086  }
0x25: {  	[simem:s6], [sflag:s4] =	dma.local [hbm:s3], $0xF7A  }
0x26: {  	[smem:$0x3F64] =	sst s1;
	(tag) =	ssettag s2;
	_ =	strace s9  }
0x27: {  	s1 =	sld [smem:$0x3F74]  }
0x28: {  	s2 =	sld [smem:$0x3F75]  }
0x29: {  	s4 =	sld [smem:$0x3F77]  }
0x2a: {  	p0 =	seq.s32 s5, $0x0;
	s5 =	sld [smem:$0x3F78]  }
0x2b: {  	s6 =	sld [smem:$0x3F79]  }
0x2c: {  	s7 =	sld [smem:$0x3F7A]  }
0x2d: {  	s3 =	simm.s32 $0x108;
	s8 =	sld [smem:$0x3F7B]  }
0x2e: {  	s3 =	simm.s32 @!p0 $0x1082;
	s9 =	sld [smem:$0x3F7C]  }
0x2f: {  	lr =	sadd.s32 s0, s3;
	s0 =	sld [smem:$0x3F73]  }
0x30: {  	s3 =	sld [smem:$0x3F76]  }
0x31: {  	[smem:$0x3F7F] =	sst s10  }
0x32: {  	s10 =	sld [smem:$0x3F7D];
	_ =	sdelay $0x3  }
0x33: {  	p0 =	seq.s32 s10, $0x1;
	s10 =	sld [smem:$0x3F7F];
	_ =	sdelay $0x3  }
0x34: {  	[smem:$0x3F7F] =	sst s10  }
0x35: {  	s10 =	sld [smem:$0x3F7E];
	_ =	sdelay $0x3  }
0x36: {  	p1 =	seq.s32 s10, $0x1;
	s10 =	sld [smem:$0x3F7F];
	_ =	sdelay $0x3  }
0x37: {  	[smem:$0x3F7F] =	sst s10  }
0x38: {  	s10 =	sld [smem:$0x3F80]  }
0x39: {  	_ = 	snop;
	(pc) =	sbr.ind lr, $3  }
0x3a: {  	_ = 	snop  }
0x3b: {  	_ = 	snop  }
0x3c: {  	p2 =	seq.s32 s10, $0x1;
	s10 =	sld [smem:$0x3F7F]  }
0x3d: {  	_ =	shalt  }
0x3e: {  	_ =	shalt  }
0x3f: {  	_ =	shalt  }
0x40: {  	_ =	shalt  }
0x41: {  	_ =	shalt  }
0x42: {  	_ =	shalt  }
0x43: {  	_ =	shalt  }
0x44: {  	_ =	shalt  }
0x45: {  	_ =	shalt  }
0x46: {  	_ =	shalt  }
0x47: {  	_ =	shalt  }
0x48: {  	_ =	shalt  }
0x49: {  	_ =	shalt  }
0x4a: {  	_ =	shalt  }
0x4b: {  	_ =	shalt  }
0x4c: {  	_ =	shalt  }
0x4d: {  	_ =	shalt  }
0x4e: {  	_ =	shalt  }
0x4f: {  	_ =	shalt  }
0x50: {  	_ =	shalt  }
0x51: {  	_ =	shalt  }
0x52: {  	_ =	shalt  }
0x53: {  	_ =	shalt  }
0x54: {  	_ =	shalt  }
0x55: {  	_ =	shalt  }
0x56: {  	_ =	shalt  }
0x57: {  	_ =	shalt  }
0x58: {  	_ =	shalt  }
0x59: {  	_ =	shalt  }
0x5a: {  	_ =	shalt  }
0x5b: {  	_ =	shalt  }
0x5c: {  	_ =	shalt  }
0x5d: {  	_ =	shalt  }
0x5e: {  	_ =	shalt  }
0x5f: {  	_ =	shalt  }
0x60: {  	_ =	shalt  }
0x61: {  	_ =	shalt  }
0x62: {  	_ =	shalt  }
0x63: {  	_ =	shalt  }
0x64: {  	_ =	shalt  }
0x65: {  	_ =	shalt  }
0x66: {  	_ =	shalt  }
0x67: {  	_ =	shalt  }
0x68: {  	_ =	shalt  }
0x69: {  	_ =	shalt  }
0x6a: {  	_ =	shalt  }
0x6b: {  	_ =	shalt  }
0x6c: {  	_ =	shalt  }
0x6d: {  	_ =	shalt  }
0x6e: {  	_ =	shalt  }
0x6f: {  	_ =	shalt  }
0x70: {  	_ =	shalt  }
0x71: {  	_ =	shalt  }
0x72: {  	_ =	shalt  }
0x73: {  	_ =	shalt  }
0x74: {  	_ =	shalt  }
0x75: {  	_ =	shalt  }
0x76: {  	_ =	shalt  }
0x77: {  	_ =	shalt  }
0x78: {  	_ =	shalt  }
0x79: {  	_ =	shalt  }
0x7a: {  	_ =	shalt  }
0x7b: {  	_ =	shalt  }
0x7c: {  	_ =	shalt  }
0x7d: {  	_ =	shalt  }
0x7e: {  	_ =	shalt  }
0x7f: {  	_ =	shalt  }
0x80: {  	_ =	shalt  }
0x81: {  	_ =	shalt  }
0x82: {  	_ =	shalt  }
0x83: {  	_ =	shalt  }
0x84: {  	_ =	shalt  }
0x85: {  	_ =	shalt  }
0x86: {  	_ =	shalt  }
0x87: {  	_ =	shalt  }
.Lfunc_end0:
.L_simem_size_0:
called_computation.3_lowered:
.L_overlay_start_0:
0x88: {  	s2 =	sld [smem:$0x3FD9]  }
0x89: {  	s3 =	sld [smem:$0x3FFE];
	_ =	sdelay $0x1  }
0x8a: {  	s1 =	srdreg.scid  }
0x8b: {  	s0 =	sand.u32 $0x1, s1  }
0x8c: {  	s16 =	sshll.u32 s0, $0xA;
	s2 =	sadd.s32 s3, s2  }
0x8d: {  	s2 =	sadd.s32 s2, s16  }
0x8e: {  	[smem:$0x3F8B] =	sst s2  }
0x8f: {  	_ = 	snop  }
0x90: {  	(tm) =	ssettm $0x1  }
0x91: {  	s17 =	sld [smem:$0x3FFB];
	_ =	sdelay $0x3  }
0x92: {  	_ =	strace s17  }
0x93: {  	s2 =	sld [smem:$0x3FFC];
	_ =	sdelay $0x3  }
0x94: {  	_ =	strace s2  }
0x95: {  	s2 =	sld [smem:$0x3FFD];
	_ =	sdelay $0x3  }
0x96: {  	_ =	strace s2  }
0x97: {  	_ =	strace $0x8FFFFFFF  }
0x98: {  	s18 =	sld [smem:$0x3FDB];
	_ =	sdelay $0x1  }
0x99: {  	s19 =	simm.s32 $_scs_section_size  }
0x9a: {  	s4 =	simm.s32 $_size__tile_overlayer_lowered;
	s5 =	simm.s32 $_tile_overlayer_lowered  }
0x9b: {  	s22 =	simm.s32 $0x1BFF;
	s21 =	sshll.u32 s5, $0x1;
	s2 =	sadd.s32 s19, s18  }
0x9c: {  	s6 =	simm.s32 $0x0;
	s20 =	sshll.u32 s4, $0x1;
	s4 =	sadd.s32 s21, s2  }
0x9d: {  	[timem:s6], [sflag:s22] =	dma.local [hbm:s4], s20  }
0x9e: {  	_ =	swait.ge [sflag:s22], s20  }
0x9f: {  	s3 =	ssub.s32 $0x0, s20;
	[sflag:s22] =	ssyncset.done $0x0  }
0xa0: {  	[sflag:s22] =	ssyncadd.s32 s3;
	_ =	sdelay $0x1  }
0xa1: {  	s23 =	simm.s32 $0x1B8B  }
0xa2: {  	_ =	swait.ge [sflag:s23], $0x1  }
0xa3: {  	[sflag:s23] =	ssyncset.done $0x0  }
0xa4: {  	s25 =	simm.s32 $0x1B8E;
	s24 =	sld [smem:$0x3FFE];
	[sflag:s23] =	ssyncadd.s32 $0xFFFFFFFF  }
0xa5: {  	s26 =	simm.s32 $execute0_lowered;
	[smem:$0x3FD2] =	sst s25  }
0xa6: {  	s4 =	sshll.u32 s26, $0x1;
	_ =	strace $0x8000004F;
	[dreg:$0x1] =	wrdreg $0xFFFFFFFF  }
0xa7: {  	s28 =	simm.s32 $_size_execute0_lowered;
	s2 =	sadd.s32 s2, s4;
	[dreg:$0x0] =	wrdreg $0x0  }
0xa8: {  	s4 =	sshll.u32 s28, $0x1;
	[dreg:$0x2] =	wrdreg s2  }
0xa9: {  	[dreg:$0x3] =	wrdreg s4  }
0xaa: {  	[dreg:$0x4] =	wrdreg $0xC0  }
0xab: {  	_ =	task [dreg:s6], $0x5FFFF  }
0xac: {  	[dreg:$0x1] =	wrdreg $0xFFFFFFFF  }
0xad: {  	[dreg:$0x0] =	wrdreg $0x60  }
0xae: {  	[dreg:$0x2] =	wrdreg s24  }
0xaf: {  	[dreg:$0x3] =	wrdreg $0x65900  }
0xb0: {  	[dreg:$0x4] =	wrdreg $0x9  }
0xb1: {  	_ =	task.clear_ibuf [dreg:s6], $0x5FFFF;
	_ =	strace $0x9000004F  }
0xb2: {  	s29 =	simm.s32 $0x9;
	_ =	strace $0x80000051  }
0xb3: {  	_ =	swait.ge [sflag:s29], $0x1  }
0xb4: {  	[sflag:s29] =	ssyncadd.s32 $0xFFFFFFFF  }
0xb5: {  	_ =	strace $0x90000051  }
0xb6: {  	_ =	sfence  }
0xb7: {  	s30 =	sld [smem:$0x0];
	_ =	sdelay $0x2  }
0xb8: {  	s31 =	sshll.u32 s1, $0xD;
	s1 =	sshrl.u32 s1, $0x2  }
0xb9: {  	s3 =	sand.u32 $0x4000, s31;
	s1 =	sadd.s32 s1, s30  }
0xba: {  	s0 =	sor.u32 s3, s0;
	s1 =	sshll.u32 s1, $0x11  }
0xbb: {  	s0 =	sor.u32 s1, s0  }
0xbc: {  	s0 =	sadd.s32 $0x8F2B, s0  }
0xbd: {  	[sflag:s0] =	ssyncadd.remote.s32 $0x1  }
0xbe: {  	_ =	sfence.sel $0xFFFF  }
0xbf: {  	[dreg:$0x0] =	wrdreg $0xFFFFFFFF;
	(pc) =	sbr.abs _section_cstart, $3  }
0xc0: {  	[dreg:$0x1] =	wrdreg $0xFFFFFFFF  }
0xc1: {  	_ =	task.clear_ibuf [dreg:s6], $0x2FFFF;
	_ =	strace $0x9FFFFFFF  }
0xc2: {  	(tm) =	ssettm $0x7FFFFFFF  }
0xc3: {  	_ =	shalt  }
tec
execute0_lowered:
.L_overlay_start_1:
0x0: {  	(tag) =	ssettag $0x1  }
0x1: {  	s4 =	rddreg [dreg:$0x0]  }
0x2: {  	s1 =	rddreg [dreg:$0x1];
	s13 =	stileid.u32  }
0x3: {  	s2 =	srdreg.scid;
	s7 =	smul.u32 $0x186C0, s13  }
0x4: {  	s0 =	rddreg [dreg:$0x2];
	s11 =	smul.u32 $0x30D0, s13  }
0x5: {  	s5 =	sand.u32 $0x1, s2;
	s2 =	simm.s32 $0x0;
	s14 =	smul.u32 $0x61A00, s13  }
0x6: {  	s3 =	sadd.s32 $0x364400, s4;
	s12 =	sadd.s32 $0x3DC00, s4;
	s6 =	smul.u32 $0x19000, s5  }
0x7: {  	s15 =	sshll.u32 s13, $0x6;
	p0 =	sne.s32 s13, $0x0;
	s8 =	smul.u32 $0x30D40, s5  }
0x8: {  	p1 =	sne.s32 s13, $0xF;
	[smem:$0x7FF] =	sst s2;
	s16 =	smul.u32 $0x186A00, s5  }
0x9: {  	s10 =	ssub.s32 $0x2, s5;
	s5 =	sor.u32 $0x1C01, s15;
	s15 =	sadd.s32 $0x186800, s1  }
0xa: {  	_ =	strace $0x80000050;
	s25 =	sshrl.u32 s7, $0x3;
	s26 =	sshrl.u32 s10, $0x1  }
0xb: {  	s17 =	sadd.s32 s7, s1;
	s29 =	sshrl.u32 s14, $0x2;
	s9 =	sadd.s32 s6, s4  }
0xc: {  	s6 =	sadd.s32 s25, s4;
	s10 =	ssub.s32 s10, s26;
	s28 =	sadd.s32 s11, s8  }
.Ltmp0:
0xd: {  	s30 =	sshrl.u32 s16, $0x3;
	s14 =	sadd.s32 s29, s1;
	(pc) =	sbr.rel .LBB2_1-.Ltmp0, $4  }
0xe: {  	s11 =	simm.s32 $0x1;
	s4 =	sadd.s32 $0xD1800, s6;
	s6 =	sadd.s32 s12, s28  }
0xf: {  	s31 =	sadd.s32 s12, s30;
	s8 =	smax.u32 s10, $0x1;
	s9 =	sadd.s32 $0xBC00, s9  }
0x10: {  	s10 =	sshrl.u32 s17, $0x3;
	s12 =	simm.s32 $0x190;
	s13 =	sshrl.u32 s14, $0x3  }
0x11: {  	s14 =	sshrl.u32 @!p1 s15, $0x3;
	s15 =	simm.s32 $0x0;
	s7 =	sadd.s32 $0x30D00, s31  }
.LBB2_5:
0x12: {  	[bflag:$0x0] =	sbarrier.arrive $0xFFFF  }
0x13: {  	[hbm:s6], [sflag:s5] =	dma.local [spmem:s13], $0x30D0  }
0x14: {  	s15 =	sadd.s32 $0x1, s15;
	_ =	swait.ge [sflag:s11], $0x30D0  }
0x15: {  	p2 =	sne.s32 s15, s8;
	[sflag:s11] =	ssyncset.done $0x0  }
.Ltmp1:
0x16: {  	s16 =	simm.s32 @!p1 $0x1;
	[sflag:s11] =	ssyncadd.s32 $0xFFFFCF30;
	(pc) =	sbr.rel @!p2 .LBB2_6-.Ltmp1, $4  }
0x17: {  	[hbm:s7], [sflag:s5] =	dma.local @!p1 [spmem:s14], $0x40  }
0x18: {  	_ =	swait.ge @!p1 [sflag:s16], $0x40  }
0x19: {  	[sflag:s16] =	ssyncset.done @!p1 $0x0  }
0x1a: {  	[sflag:s16] =	ssyncadd.s32 @!p1 $0xFFFFFFC0  }
.LBB2_1:
0x1b: {  	[spmem:s10], [sflag:s5] =	dma.local [hbm:s4], $0x30D8  }
.Ltmp2:
0x1c: {  	_ =	swait.ge [sflag:s11], $0x30D8;
	(pc) =	sbr.rel @p0 .LBB2_5-.Ltmp2, $3  }
0x1d: {  	[sflag:s11] =	ssyncset.done $0x0  }
0x1e: {  	[sflag:s11] =	ssyncadd.s32 $0xFFFFCF28  }
0x1f: {  	[bflag:$0x0] =	sbarrier.arrive $0xFFFF;
	_ =	sdelay $0x1  }
0x20: {  	s16 =	sadd.s32 $0x0, s9  }
0x21: {  	[tilespmem:s2], [sflag:$0x1] =	stream.linear.gather [hbm4b:s16+s2], $0x190, $0x38;
	[tilespmem:$0x1EC50] =	vst v63  }
0x22: {  	_ =	swait.ge [sflag:s11], $0x190  }
0x23: {  	[sflag:s11] =	ssyncset.done $0x0  }
0x24: {  	[sflag:s11] =	ssyncadd.s32 $0xFFFFFE70  }
0x25: {  	[tilespmem:s12], [sflag:$0x1] =	stream.linear.gather [hbm4b:s3+s2], $0x6400, $0x38;
	[tilespmem:$0x1EC50] =	vst v63  }
0x26: {  	_ =	swait.ge [sflag:s11], $0x6400  }
0x27: {  	[sflag:s11] =	ssyncset.done $0x0  }
0x28: {  	[sflag:s11] =	ssyncadd.s32 $0xFFFF9C00  }
0x29: {  	[spmem:s1] =	stream.indirect.scatter.add.f32 [tilespmem:s12], [sflag:$0x1], $0x40, s2, s12, $0xb8;
	[tilespmem:$0x1EC50] =	vst v63  }
0x2a: {  	s17 =	simm.s32 $0x32;
	_ =	swait.ge [sflag:s11], $0x6400  }
0x2b: {  	s18 =	simm.s32 $0x64;
	s16 =	sadd.s32 $0xC80, s3;
	[sflag:s11] =	ssyncset.done $0x0  }
.LBB2_3:
0x2c: {  	s19 =	sadd.s32 s17, s9  }
0x2d: {  	[sflag:s11] =	ssyncadd.s32 $0xFFFF9C00;
	s17 =	smov.u32 s18;
	s20 =	sadd.s32 $0x32, s18  }
0x2e: {  	[tilespmem:s2], [sflag:$0x1] =	stream.linear.gather [hbm4b:s19+s2], $0x190, $0x38;
	[tilespmem:$0x1EC50] =	vst v63  }
0x2f: {  	p2 =	sne.s32 s18, $0x18FCE;
	_ =	swait.ge [sflag:s11], $0x190  }
0x30: {  	[sflag:s11] =	ssyncset.done $0x0  }
0x31: {  	[sflag:s11] =	ssyncadd.s32 $0xFFFFFE70  }
0x32: {  	[tilespmem:s12], [sflag:$0x1] =	stream.linear.gather [hbm4b:s16+s2], $0x6400, $0x38;
	[tilespmem:$0x1EC50] =	vst v63  }
0x33: {  	_ =	swait.ge [sflag:s11], $0x6400  }
.Ltmp3:
0x34: {  	[sflag:s11] =	ssyncset.done $0x0;
	(pc) =	sbr.rel @p2 .LBB2_3-.Ltmp3, $4  }
0x35: {  	[sflag:s11] =	ssyncadd.s32 $0xFFFF9C00  }
0x36: {  	[spmem:s1] =	stream.indirect.scatter.add.f32 [tilespmem:s12], [sflag:$0x1], $0x40, s2, s12, $0xb8;
	[tilespmem:$0x1EC50] =	vst v63  }
0x37: {  	_ =	swait.ge [sflag:s11], $0x6400  }
0x38: {  	s18 =	smov.u32 s20;
	s16 =	sadd.s32 $0xC80, s16;
	[sflag:s11] =	ssyncset.done $0x0  }
0x39: {  	s17 =	sadd.s32 s17, s9;
	[sflag:s11] =	ssyncadd.s32 $0xFFFF9C00  }
0x3a: {  	[tilespmem:s2], [sflag:$0x1] =	stream.linear.gather [hbm4b:s17+s2], $0x190, $0x38;
	[tilespmem:$0x1EC50] =	vst v63  }
0x3b: {  	_ =	swait.ge [sflag:s11], $0x190  }
0x3c: {  	[sflag:s11] =	ssyncset.done $0x0  }
0x3d: {  	[sflag:s11] =	ssyncadd.s32 $0xFFFFFE70  }
0x3e: {  	[tilespmem:s12], [sflag:$0x1] =	stream.linear.gather [hbm4b:s16+s2], $0x6400, $0x38;
	[tilespmem:$0x1EC50] =	vst v63  }
0x3f: {  	_ =	swait.ge [sflag:s11], $0x6400  }
0x40: {  	[sflag:s11] =	ssyncset.done $0x0  }
.Ltmp4:
0x41: {  	[sflag:s11] =	ssyncadd.s32 $0xFFFF9C00;
	(pc) =	sbr.rel .LBB2_5-.Ltmp4, $4  }
0x42: {  	[spmem:s1] =	stream.indirect.scatter.add.f32 [tilespmem:s12], [sflag:$0x1], $0x40, s2, s12, $0xb8;
	[tilespmem:$0x1EC50] =	vst v63  }
0x43: {  	_ =	swait.ge [sflag:s11], $0x6400  }
0x44: {  	[sflag:s11] =	ssyncset.done $0x0  }
0x45: {  	[sflag:s11] =	ssyncadd.s32 $0xFFFF9C00  }
.LBB2_6:
0x46: {  	_ =	sfence.sel $0x180000  }
0x47: {  	[bflag:$0x0] =	sbarrier.arrive $0xFFFF  }
0x48: {  	_ =	strace $0x90000050  }
0x49: {  	s0 =	sadd.s32 @!p0 $0x100000, s0;
	[bflag:$0x2] =	sbarrier.arrive $0xFFFF  }
0x4a: {  	[sflag:s0] =	ssyncadd.tile.s32 @!p0 $0x1;
	_ =	shalt  }
.Lfunc_end2:
_tile_overlayer_lowered:
.L_overlay_start_2:
0x4b: {  	(tag) =	ssettag $0x2  }
0x4c: {  	s0 =	rddreg [dreg:$0x0];
	s2 =	stileid.u32  }
0x4d: {  	s1 =	rddreg [dreg:$0x1];
	p0 =	sne.s32 s2, $0x0  }
0x4e: {  	s3 =	rddreg [dreg:$0x2];
	[bflag:$0x3] =	sbarrier.arrive $0xFFFF;
	s2 =	simm.s32 @!p0 $0x1C01  }
0x4f: {  	[timem:s3], [sflag:s2] =	dma.local @!p0 [hbm:s0], s1  }
0x50: {  	s0 =	simm.s32 @!p0 $0x1  }
0x51: {  	_ =	swait.ge @!p0 [sflag:s0], s1  }
0x52: {  	s1 =	ssub.s32 @!p0 $0x0, s1;
	[sflag:s0] =	ssyncset.done @!p0 $0x0  }
0x53: {  	[sflag:s0] =	ssyncadd.s32 @!p0 s1  }
0x54: {  	[bflag:$0x3] =	sbarrier.arrive $0xFFFF  }
0x55: {  	_ =	shalt  }

</sc_bundles>
